<compile_context>
chip_gen: v7x
topology: tpu7x:2x2x1
jax: 0.10.2.dev20260603
libtpu: 0.0.44.dev20260713+nightly
codegen_flags: <defaults>
</compile_context>

<pallas_src>
import jax
import jax.numpy as jnp
from jax import lax
from jax.experimental import pallas as pl
from jax.experimental.pallas import tpu as pltpu
from jax.experimental.pallas import tpu_sc as plsc

N = 100000
NPAD = 100096
DIM = 512
N_INS = 8
NSUB = 16
CHUNK = NPAD // NSUB
NV = CHUNK // 16
BLK = 8
NBLK = NV // BLK
REM = NV - NBLK * BLK
NEG_INF = float("-inf")


def _merge_top16(t_k, t_i, in_k_desc, in_i_desc):
    m = in_k_desc > t_k
    k3, i3 = plsc.sort_key_val(jnp.where(m, in_k_desc, t_k),
                               jnp.where(m, in_i_desc, t_i))
    return k3, i3


def _merge_pair(ka, ia, kb, ib, descending):
    m = kb > ka
    k3, i3 = plsc.sort_key_val(jnp.where(m, kb, ka), jnp.where(m, ib, ia),
                               descending=descending)
    return k3, i3


def _sc_body(a_hbm, h_hbm, wb_hbm, out_all,
             a_v, wt_v, b_v, kv_stage, iv_stage,
             cand_k_sh, cand_i_sh, allk_v, alli_v, idxbuf_v,
             hrow_v, lu_v, ex_v, pr_v, sem):
    cid = lax.axis_index("c")
    sid = lax.axis_index("s")
    lane = lax.iota(jnp.int32, 16)

    base = sid * CHUNK
    pltpu.sync_copy(a_hbm.at[pl.ds(base, CHUNK)], a_v)
    sigma = 1.0 - 2.0 * cid.astype(jnp.float32)

    def load_sorted(off, descending):
        v = a_v[pl.ds(off, 16)]
        gi = base + off + lane
        key = jnp.where(gi < N, v * sigma, NEG_INF)
        return plsc.sort_key_val(key, gi, descending=descending)

    t0_k = jnp.full((16,), NEG_INF, dtype=jnp.float32)
    t0_i = jnp.zeros((16,), dtype=jnp.int32)

    def body(j, carry):
        t_k, t_i = carry
        leaves = [load_sorted(j * (BLK * 16) + u * 16, u % 2 == 1)
                  for u in range(BLK)]
        l1 = [_merge_pair(*leaves[2 * p], *leaves[2 * p + 1], p % 2 == 1)
              for p in range(4)]
        l2 = [_merge_pair(*l1[2 * p], *l1[2 * p + 1], p == 1)
              for p in range(2)]
        bk, bi = _merge_pair(*l2[0], *l2[1], True)
        return _merge_top16(t_k, t_i, bk, bi)

    t_k, t_i = lax.fori_loop(0, NBLK, body, (t0_k, t0_i))

    for u in range(REM):
        ks, gis = load_sorted((NBLK * BLK + u) * 16, True)
        t_k, t_i = _merge_top16(t_k, t_i, ks, gis)

    kv_stage[...] = lax.rev(t_k, (0,))
    iv_stage[...] = lax.rev(t_i, (0,))
    pltpu.sync_copy(kv_stage, cand_k_sh.at[pl.ds(sid * 16, 16)])
    pltpu.sync_copy(iv_stage, cand_i_sh.at[pl.ds(sid * 16, 16)])
    plsc.subcore_barrier()

    @pl.when(sid == 0)
    def _phase_b():
        pltpu.sync_copy(cand_k_sh, allk_v)
        pltpu.sync_copy(cand_i_sh, alli_v)
        pltpu.sync_copy(wb_hbm.at[pl.ds(0, 2 * DIM)], wt_v)
        pltpu.sync_copy(wb_hbm.at[pl.ds(2 * DIM, 16)], b_v)

        def cand_set(s, descending):
            kk = allk_v[pl.ds(s * 16, 16)]
            ii = alli_v[pl.ds(s * 16, 16)]
            if descending:
                return kk, ii
            return lax.rev(kk, (0,)), lax.rev(ii, (0,))

        lvl = [cand_set(s, s % 2 == 1) for s in range(NSUB)]
        while len(lvl) > 2:
            lvl = [_merge_pair(*lvl[2 * p], *lvl[2 * p + 1], p % 2 == 1)
                   for p in range(len(lvl) // 2)]
        g_k, g_i = _merge_pair(*lvl[0], *lvl[1], False)

        idxbuf_v[...] = lax.rev(g_i, (0,))
        pltpu.async_copy(h_hbm.at[idxbuf_v.at[pl.ds(0, N_INS)]],
                         hrow_v, sem).wait()

        bv = b_v[...]

        def inst_body(i, lu):
            def k_body(k, accs):
                acc0, acc1 = accs
                r = hrow_v[i, pl.ds(k * 16, 16)]
                acc0 = acc0 + r * wt_v[pl.ds(k * 16, 16)]
                acc1 = acc1 + r * wt_v[pl.ds(DIM + k * 16, 16)]
                return (acc0, acc1)

            z = jnp.zeros((16,), dtype=jnp.float32)
            acc0, acc1 = lax.fori_loop(0, DIM // 16, k_body, (z, z))
            l0 = jnp.sum(acc0) + bv[0]
            l1 = jnp.sum(acc1) + bv[1]
            lu = jnp.where(lane == 2 * i, l0, lu)
            return jnp.where(lane == 2 * i + 1, l1, lu)

        lu = lax.fori_loop(0, N_INS, inst_body, jnp.zeros((16,), jnp.float32))

        lu_v[...] = lu
        partner = lax.bitwise_xor(lane, 1)
        mx = jnp.maximum(lu, plsc.load_gather(lu_v, [partner]))
        ex = jnp.exp(lu - mx)
        ex_v[...] = ex
        pr = ex / (ex + plsc.load_gather(ex_v, [partner]))
        pr_v[...] = pr

        half = pl.multiple_of(cid * 16, 16)
        pltpu.sync_copy(lu_v, out_all.at[pl.ds(half, 16)])
        pltpu.sync_copy(pr_v, out_all.at[pl.ds(32 + half, 16)])


@jax.jit
def _sc_call(a_col, h, wb):
    f32 = jnp.float32
    i32 = jnp.int32
    run = pl.kernel(
        _sc_body,
        out_type=jax.ShapeDtypeStruct((8 * N_INS,), f32),
        mesh=plsc.VectorSubcoreMesh(core_axis_name="c", subcore_axis_name="s"),
        compiler_params=pltpu.CompilerParams(needs_layout_passes=False),
        scratch_types=[
            pltpu.VMEM((CHUNK,), f32),
            pltpu.VMEM((2 * DIM,), f32),
            pltpu.VMEM((16,), f32),
            pltpu.VMEM((16,), f32),
            pltpu.VMEM((16,), i32),
            pltpu.VMEM_SHARED((NSUB * 16,), f32),
            pltpu.VMEM_SHARED((NSUB * 16,), i32),
            pltpu.VMEM((NSUB * 16,), f32),
            pltpu.VMEM((NSUB * 16,), i32),
            pltpu.VMEM((16,), i32),
            pltpu.VMEM((N_INS, DIM), f32),
            pltpu.VMEM((16,), f32),
            pltpu.VMEM((16,), f32),
            pltpu.VMEM((16,), f32),
            pltpu.SemaphoreType.DMA,
        ],
    )
    return run(a_col, h, wb)


def kernel(bag_label, h, A, W, b):
    bl = jnp.asarray(bag_label, jnp.int32)
    a_col = jnp.where(bl == 0, A[:, 0, 0], A[:, 0, 1])
    a_pad = jnp.concatenate([a_col, jnp.zeros((NPAD - N,), jnp.float32)])
    wb = jnp.concatenate(
        [W.T.reshape(-1), b, jnp.zeros((14,), jnp.float32)])
    out_all = _sc_call(a_pad, h, wb)
    lu_flat, pr_flat = out_all[:32], out_all[32:]
    ins_labels = jnp.concatenate(
        [jnp.ones((N_INS,), jnp.int32), jnp.zeros((N_INS,), jnp.int32)])
    return (ins_labels, lu_flat.reshape(2 * N_INS, 2),
            pr_flat.reshape(2 * N_INS, 2))

# --- scband reference (transcript-rebuilt; emitter-appended) ---
"""Pipeline reference for scband-ins-29317446762502 (READ-ONLY COPY).

The authoritative reference and input builder live on the scoring server;
editing this copy changes nothing except your own understanding.
"""

import jax, jax.numpy as jnp
import numpy as np

N = 100000
DIM = 512
N_CLASS = 2
N_INS = 8

def setup_inputs(seed: int = 0) -> dict:
    key = jax.random.key(seed)
    k1, k2, k3 = jax.random.split(key, 3)
    h = jax.random.normal(k1, (N, DIM), dtype=jnp.float32)
    A = jax.random.normal(k2, (N, 1, N_CLASS), dtype=jnp.float32)
    # learned params of the instance classifier Dense(dim_compress_features -> n_class)
    W = jax.random.normal(k3, (DIM, N_CLASS), dtype=jnp.float32) * 0.02
    b = jnp.zeros((N_CLASS,), dtype=jnp.float32)
    bag_label = 1  # scalar int, < n_class
    return {"bag_label": bag_label, "h": h, "A": A, "W": W, "b": b}

def reference(bag_label, h, A, W, b):
    # mut_ex=False: only the branch i == bag_label runs (in_call)
    # A_I = [A[j][0][bag_label] for j in range(len(A))]
    A_I = A[:, 0, bag_label]  # [N]
    # top_pos_ids = top_k(A_I, n_ins).indices ; top_neg_ids = top_k(-A_I, n_ins).indices
    _, pos_ids = jax.lax.top_k(A_I, N_INS)
    _, neg_ids = jax.lax.top_k(-A_I, N_INS)
    top_pos = jnp.take(h, pos_ids, axis=0)  # [n_ins, dim]
    top_neg = jnp.take(h, neg_ids, axis=0)  # [n_ins, dim]
    ins_in = jnp.concatenate([top_pos, top_neg], axis=0)  # [2*n_ins, dim]
    pos_label = jnp.full((N_INS,), 1, dtype=jnp.int32)
    neg_label = jnp.full((N_INS,), 0, dtype=jnp.int32)
    ins_labels = jnp.concatenate([pos_label, neg_label], axis=0)
    # per-instance Dense then softmax over the n_class logits
    logits_unnorm = ins_in @ W + b  # [2*n_ins, n_class]
    logits = jax.nn.softmax(logits_unnorm, axis=-1)
    return (ins_labels, logits_unnorm, logits)

if __name__ == "__main__":
    import jax
    _d = setup_inputs()
    print(jax.jit(kernel)(*tuple(_d.values())))

</pallas_src>

<mosaic_0001>
#map = affine_map<(d0, d1) -> (0)>
#map1 = affine_map<(d0, d1) -> (0, 0)>
module attributes {stable_mosaic.version = 14 : i64} {
  func.func @_sc_body(%arg0: i32, %arg1: i32, %arg2: memref<100096xf32, #tpu.memory_space<hbm>>, %arg3: memref<100000x512xf32, #tpu.memory_space<hbm>>, %arg4: memref<1040xf32, #tpu.memory_space<hbm>>, %arg5: memref<64xf32, #tpu.memory_space<hbm>>, %arg6: memref<6256xf32, #tpu.memory_space<vmem>>, %arg7: memref<1024xf32, #tpu.memory_space<vmem>>, %arg8: memref<16xf32, #tpu.memory_space<vmem>>, %arg9: memref<16xf32, #tpu.memory_space<vmem>>, %arg10: memref<16xi32, #tpu.memory_space<vmem>>, %arg11: memref<256xf32, #tpu.memory_space<vmem_shared>>, %arg12: memref<256xi32, #tpu.memory_space<vmem_shared>>, %arg13: memref<256xf32, #tpu.memory_space<vmem>>, %arg14: memref<256xi32, #tpu.memory_space<vmem>>, %arg15: memref<16xi32, #tpu.memory_space<vmem>>, %arg16: memref<8x512xf32, #tpu.memory_space<vmem>>, %arg17: memref<16xf32, #tpu.memory_space<vmem>>, %arg18: memref<16xf32, #tpu.memory_space<vmem>>, %arg19: memref<16xf32, #tpu.memory_space<vmem>>, %arg20: memref<!tpu.dma_semaphore, #tpu.memory_space<semaphore_mem>>) attributes {dimension_semantics = [#tpu.dimension_semantics<core_parallel>, #tpu.dimension_semantics<subcore_parallel>], iteration_bounds = array<i64: 2, 16>, scalar_prefetch = 0 : i64, scratch_operands = 15 : i64, tpu.core_type = #tpu.core_type<sc_vector_subcore>, window_params = [{transform_indices = #map}, {transform_indices = #map1}, {transform_indices = #map}, {transform_indices = #map}]} {
    %iota3A = tpu.iota {dimensions = array<i32: 0>} : vector<16xi32>
    %mul3A = arith.constant 6256 : i32
    %mul3A_0 = arith.muli %arg1, %mul3A : i32
    "tpu.region"() ({
      %run_scoped3A = tpu.sem_alloc : memref<!tpu.dma_semaphore, #tpu.memory_space<semaphore_mem>>
      %dma_start3A = tpu.memref_slice %arg2[%mul3A_0] : memref<100096xf32, #tpu.memory_space<hbm>> -> memref<6256xf32, #tpu.memory_space<hbm>>
      %dma_start3A_199 = tpu.memref_slice %arg2[%mul3A_0] : memref<100096xf32, #tpu.memory_space<hbm>> -> memref<6256xf32, #tpu.memory_space<hbm>>
      tpu.enqueue_dma source(%dma_start3A_199 : memref<6256xf32, #tpu.memory_space<hbm>>) target(%arg6 : memref<6256xf32, #tpu.memory_space<vmem>>) target_semaphore(%run_scoped3A : memref<!tpu.dma_semaphore, #tpu.memory_space<semaphore_mem>>)
      %dma_wait3A = tpu.memref_slice %arg2[%mul3A_0] : memref<100096xf32, #tpu.memory_space<hbm>> -> memref<6256xf32, #tpu.memory_space<hbm>>
      %dma_wait3A_200 = tpu.memref_slice %arg2[%mul3A_0] : memref<100096xf32, #tpu.memory_space<hbm>> -> memref<6256xf32, #tpu.memory_space<hbm>>
      tpu.wait_dma2 semaphore(%run_scoped3A : memref<!tpu.dma_semaphore, #tpu.memory_space<semaphore_mem>>) src(%dma_wait3A_200 : memref<6256xf32, #tpu.memory_space<hbm>>) dst(%arg6 : memref<6256xf32, #tpu.memory_space<vmem>>)
      tpu.yield
    }) : () -> ()
    %convert_element_type3A = arith.sitofp %arg0 : i32 to f32
    %mul3A_1 = arith.constant 2.000000e+00 : f32
    %mul3A_2 = arith.mulf %mul3A_1, %convert_element_type3A : f32
    %sub3A = arith.constant 1.000000e+00 : f32
    %sub3A_3 = arith.subf %sub3A, %mul3A_2 : f32
    %broadcast_in_dim3A = arith.constant 0xFF800000 : f32
    %broadcast_in_dim3A_4 = vector.broadcast %broadcast_in_dim3A : f32 to vector<16xf32>
    %broadcast_in_dim3A_5 = arith.constant 0 : i32
    %broadcast_in_dim3A_6 = vector.broadcast %broadcast_in_dim3A_5 : i32 to vector<16xi32>
    %scan3A = arith.constant 0 : i32
    %scan3A_7 = arith.constant 48 : i32
    %scan3A_8 = arith.addi %scan3A, %scan3A_7 : i32
    %scan3A_9 = arith.constant 1 : i32
    %scan3A_10:2 = scf.for %scan3A_199 = %scan3A to %scan3A_8 step %scan3A_9 iter_args(%scan3A_200 = %broadcast_in_dim3A_4, %scan3A_201 = %broadcast_in_dim3A_6) -> (vector<16xf32>, vector<16xi32>)  : i32 {
      %mul3A_202 = arith.constant 128 : i32
      %mul3A_203 = arith.muli %scan3A_199, %mul3A_202 : i32
      %add3A_204 = arith.constant 0 : i32
      %add3A_205 = arith.addi %mul3A_203, %add3A_204 : i32
      %get3A_206 = arith.index_cast %add3A_205 : i32 to index
      %get3A_207 = tpu.vector_load %arg6[%get3A_206] {strides = array<i32>} : memref<6256xf32, #tpu.memory_space<vmem>>, vector<16xf32>,
      %add3A_208 = arith.addi %mul3A_0, %add3A_205 : i32
      %add3A_209 = vector.broadcast %add3A_208 : i32 to vector<16xi32>
      %add3A_210 = arith.addi %add3A_209, %iota3A : vector<16xi32>
      %lt3A_211 = arith.constant 100000 : i32
      %lt3A_212 = vector.broadcast %lt3A_211 : i32 to vector<16xi32>
      %lt3A_213 = arith.cmpi slt, %add3A_210, %lt3A_212 : vector<16xi32>
      %mul3A_214 = vector.broadcast %sub3A_3 : f32 to vector<16xf32>
      %mul3A_215 = arith.mulf %get3A_207, %mul3A_214 : vector<16xf32>
      %jit3A_216 = arith.constant 0xFF800000 : f32
      %broadcast_in_dim3A_217 = vector.broadcast %jit3A_216 : f32 to vector<16xf32>
      %select_n3A_218 = arith.select %lt3A_213, %mul3A_215, %broadcast_in_dim3A_217 : vector<16xi1>, vector<16xf32>
      %masked_sort3A_219 = arith.constant dense<true> : vector<16xi1>
      %masked_sort3A_220, %masked_sort3A_221, %masked_sort3A_222 = tpu.sort %select_n3A_218, %add3A_210 masked %masked_sort3A_219 : (vector<16xf32>, vector<16xi32>, vector<16xi1>) -> (vector<16xi1>, vector<16xf32>, vector<16xi32>)
      %mul3A_223 = arith.constant 128 : i32
      %mul3A_224 = arith.muli %scan3A_199, %mul3A_223 : i32
      %add3A_225 = arith.constant 16 : i32
      %add3A_226 = arith.addi %mul3A_224, %add3A_225 : i32
      %get3A_227 = arith.index_cast %add3A_226 : i32 to index
      %get3A_228 = tpu.vector_load %arg6[%get3A_227] {strides = array<i32>} : memref<6256xf32, #tpu.memory_space<vmem>>, vector<16xf32>,
      %add3A_229 = arith.addi %mul3A_0, %add3A_226 : i32
      %add3A_230 = vector.broadcast %add3A_229 : i32 to vector<16xi32>
      %add3A_231 = arith.addi %add3A_230, %iota3A : vector<16xi32>
      %lt3A_232 = arith.constant 100000 : i32
      %lt3A_233 = vector.broadcast %lt3A_232 : i32 to vector<16xi32>
      %lt3A_234 = arith.cmpi slt, %add3A_231, %lt3A_233 : vector<16xi32>
      %mul3A_235 = vector.broadcast %sub3A_3 : f32 to vector<16xf32>
      %mul3A_236 = arith.mulf %get3A_228, %mul3A_235 : vector<16xf32>
      %jit3A_237 = arith.constant 0xFF800000 : f32
      %broadcast_in_dim3A_238 = vector.broadcast %jit3A_237 : f32 to vector<16xf32>
      %select_n3A_239 = arith.select %lt3A_234, %mul3A_236, %broadcast_in_dim3A_238 : vector<16xi1>, vector<16xf32>
      %masked_sort3A_240 = arith.constant dense<true> : vector<16xi1>
      %masked_sort3A_241, %masked_sort3A_242, %masked_sort3A_243 = tpu.sort %select_n3A_239, %add3A_231 masked %masked_sort3A_240 {descending = true} : (vector<16xf32>, vector<16xi32>, vector<16xi1>) -> (vector<16xi1>, vector<16xf32>, vector<16xi32>)
      %mul3A_244 = arith.constant 128 : i32
      %mul3A_245 = arith.muli %scan3A_199, %mul3A_244 : i32
      %add3A_246 = arith.constant 32 : i32
      %add3A_247 = arith.addi %mul3A_245, %add3A_246 : i32
      %get3A_248 = arith.index_cast %add3A_247 : i32 to index
      %get3A_249 = tpu.vector_load %arg6[%get3A_248] {strides = array<i32>} : memref<6256xf32, #tpu.memory_space<vmem>>, vector<16xf32>,
      %add3A_250 = arith.addi %mul3A_0, %add3A_247 : i32
      %add3A_251 = vector.broadcast %add3A_250 : i32 to vector<16xi32>
      %add3A_252 = arith.addi %add3A_251, %iota3A : vector<16xi32>
      %lt3A_253 = arith.constant 100000 : i32
      %lt3A_254 = vector.broadcast %lt3A_253 : i32 to vector<16xi32>
      %lt3A_255 = arith.cmpi slt, %add3A_252, %lt3A_254 : vector<16xi32>
      %mul3A_256 = vector.broadcast %sub3A_3 : f32 to vector<16xf32>
      %mul3A_257 = arith.mulf %get3A_249, %mul3A_256 : vector<16xf32>
      %jit3A_258 = arith.constant 0xFF800000 : f32
      %broadcast_in_dim3A_259 = vector.broadcast %jit3A_258 : f32 to vector<16xf32>
      %select_n3A_260 = arith.select %lt3A_255, %mul3A_257, %broadcast_in_dim3A_259 : vector<16xi1>, vector<16xf32>
      %masked_sort3A_261 = arith.constant dense<true> : vector<16xi1>
      %masked_sort3A_262, %masked_sort3A_263, %masked_sort3A_264 = tpu.sort %select_n3A_260, %add3A_252 masked %masked_sort3A_261 : (vector<16xf32>, vector<16xi32>, vector<16xi1>) -> (vector<16xi1>, vector<16xf32>, vector<16xi32>)
      %mul3A_265 = arith.constant 128 : i32
      %mul3A_266 = arith.muli %scan3A_199, %mul3A_265 : i32
      %add3A_267 = arith.constant 48 : i32
      %add3A_268 = arith.addi %mul3A_266, %add3A_267 : i32
      %get3A_269 = arith.index_cast %add3A_268 : i32 to index
      %get3A_270 = tpu.vector_load %arg6[%get3A_269] {strides = array<i32>} : memref<6256xf32, #tpu.memory_space<vmem>>, vector<16xf32>,
      %add3A_271 = arith.addi %mul3A_0, %add3A_268 : i32
      %add3A_272 = vector.broadcast %add3A_271 : i32 to vector<16xi32>
      %add3A_273 = arith.addi %add3A_272, %iota3A : vector<16xi32>
      %lt3A_274 = arith.constant 100000 : i32
      %lt3A_275 = vector.broadcast %lt3A_274 : i32 to vector<16xi32>
      %lt3A_276 = arith.cmpi slt, %add3A_273, %lt3A_275 : vector<16xi32>
      %mul3A_277 = vector.broadcast %sub3A_3 : f32 to vector<16xf32>
      %mul3A_278 = arith.mulf %get3A_270, %mul3A_277 : vector<16xf32>
      %jit3A_279 = arith.constant 0xFF800000 : f32
      %broadcast_in_dim3A_280 = vector.broadcast %jit3A_279 : f32 to vector<16xf32>
      %select_n3A_281 = arith.select %lt3A_276, %mul3A_278, %broadcast_in_dim3A_280 : vector<16xi1>, vector<16xf32>
      %masked_sort3A_282 = arith.constant dense<true> : vector<16xi1>
      %masked_sort3A_283, %masked_sort3A_284, %masked_sort3A_285 = tpu.sort %select_n3A_281, %add3A_273 masked %masked_sort3A_282 {descending = true} : (vector<16xf32>, vector<16xi32>, vector<16xi1>) -> (vector<16xi1>, vector<16xf32>, vector<16xi32>)
      %mul3A_286 = arith.constant 128 : i32
      %mul3A_287 = arith.muli %scan3A_199, %mul3A_286 : i32
      %add3A_288 = arith.constant 64 : i32
      %add3A_289 = arith.addi %mul3A_287, %add3A_288 : i32
      %get3A_290 = arith.index_cast %add3A_289 : i32 to index
      %get3A_291 = tpu.vector_load %arg6[%get3A_290] {strides = array<i32>} : memref<6256xf32, #tpu.memory_space<vmem>>, vector<16xf32>,
      %add3A_292 = arith.addi %mul3A_0, %add3A_289 : i32
      %add3A_293 = vector.broadcast %add3A_292 : i32 to vector<16xi32>
      %add3A_294 = arith.addi %add3A_293, %iota3A : vector<16xi32>
      %lt3A_295 = arith.constant 100000 : i32
      %lt3A_296 = vector.broadcast %lt3A_295 : i32 to vector<16xi32>
      %lt3A_297 = arith.cmpi slt, %add3A_294, %lt3A_296 : vector<16xi32>
      %mul3A_298 = vector.broadcast %sub3A_3 : f32 to vector<16xf32>
      %mul3A_299 = arith.mulf %get3A_291, %mul3A_298 : vector<16xf32>
      %jit3A_300 = arith.constant 0xFF800000 : f32
      %broadcast_in_dim3A_301 = vector.broadcast %jit3A_300 : f32 to vector<16xf32>
      %select_n3A_302 = arith.select %lt3A_297, %mul3A_299, %broadcast_in_dim3A_301 : vector<16xi1>, vector<16xf32>
      %masked_sort3A_303 = arith.constant dense<true> : vector<16xi1>
      %masked_sort3A_304, %masked_sort3A_305, %masked_sort3A_306 = tpu.sort %select_n3A_302, %add3A_294 masked %masked_sort3A_303 : (vector<16xf32>, vector<16xi32>, vector<16xi1>) -> (vector<16xi1>, vector<16xf32>, vector<16xi32>)
      %mul3A_307 = arith.constant 128 : i32
      %mul3A_308 = arith.muli %scan3A_199, %mul3A_307 : i32
      %add3A_309 = arith.constant 80 : i32
      %add3A_310 = arith.addi %mul3A_308, %add3A_309 : i32
      %get3A_311 = arith.index_cast %add3A_310 : i32 to index
      %get3A_312 = tpu.vector_load %arg6[%get3A_311] {strides = array<i32>} : memref<6256xf32, #tpu.memory_space<vmem>>, vector<16xf32>,
      %add3A_313 = arith.addi %mul3A_0, %add3A_310 : i32
      %add3A_314 = vector.broadcast %add3A_313 : i32 to vector<16xi32>
      %add3A_315 = arith.addi %add3A_314, %iota3A : vector<16xi32>
      %lt3A_316 = arith.constant 100000 : i32
      %lt3A_317 = vector.broadcast %lt3A_316 : i32 to vector<16xi32>
      %lt3A_318 = arith.cmpi slt, %add3A_315, %lt3A_317 : vector<16xi32>
      %mul3A_319 = vector.broadcast %sub3A_3 : f32 to vector<16xf32>
      %mul3A_320 = arith.mulf %get3A_312, %mul3A_319 : vector<16xf32>
      %jit3A_321 = arith.constant 0xFF800000 : f32
      %broadcast_in_dim3A_322 = vector.broadcast %jit3A_321 : f32 to vector<16xf32>
      %select_n3A_323 = arith.select %lt3A_318, %mul3A_320, %broadcast_in_dim3A_322 : vector<16xi1>, vector<16xf32>
      %masked_sort3A_324 = arith.constant dense<true> : vector<16xi1>
      %masked_sort3A_325, %masked_sort3A_326, %masked_sort3A_327 = tpu.sort %select_n3A_323, %add3A_315 masked %masked_sort3A_324 {descending = true} : (vector<16xf32>, vector<16xi32>, vector<16xi1>) -> (vector<16xi1>, vector<16xf32>, vector<16xi32>)
      %mul3A_328 = arith.constant 128 : i32
      %mul3A_329 = arith.muli %scan3A_199, %mul3A_328 : i32
      %add3A_330 = arith.constant 96 : i32
      %add3A_331 = arith.addi %mul3A_329, %add3A_330 : i32
      %get3A_332 = arith.index_cast %add3A_331 : i32 to index
      %get3A_333 = tpu.vector_load %arg6[%get3A_332] {strides = array<i32>} : memref<6256xf32, #tpu.memory_space<vmem>>, vector<16xf32>,
      %add3A_334 = arith.addi %mul3A_0, %add3A_331 : i32
      %add3A_335 = vector.broadcast %add3A_334 : i32 to vector<16xi32>
      %add3A_336 = arith.addi %add3A_335, %iota3A : vector<16xi32>
      %lt3A_337 = arith.constant 100000 : i32
      %lt3A_338 = vector.broadcast %lt3A_337 : i32 to vector<16xi32>
      %lt3A_339 = arith.cmpi slt, %add3A_336, %lt3A_338 : vector<16xi32>
      %mul3A_340 = vector.broadcast %sub3A_3 : f32 to vector<16xf32>
      %mul3A_341 = arith.mulf %get3A_333, %mul3A_340 : vector<16xf32>
      %jit3A_342 = arith.constant 0xFF800000 : f32
      %broadcast_in_dim3A_343 = vector.broadcast %jit3A_342 : f32 to vector<16xf32>
      %select_n3A_344 = arith.select %lt3A_339, %mul3A_341, %broadcast_in_dim3A_343 : vector<16xi1>, vector<16xf32>
      %masked_sort3A_345 = arith.constant dense<true> : vector<16xi1>
      %masked_sort3A_346, %masked_sort3A_347, %masked_sort3A_348 = tpu.sort %select_n3A_344, %add3A_336 masked %masked_sort3A_345 : (vector<16xf32>, vector<16xi32>, vector<16xi1>) -> (vector<16xi1>, vector<16xf32>, vector<16xi32>)
      %mul3A_349 = arith.constant 128 : i32
      %mul3A_350 = arith.muli %scan3A_199, %mul3A_349 : i32
      %add3A_351 = arith.constant 112 : i32
      %add3A_352 = arith.addi %mul3A_350, %add3A_351 : i32
      %get3A_353 = arith.index_cast %add3A_352 : i32 to index
      %get3A_354 = tpu.vector_load %arg6[%get3A_353] {strides = array<i32>} : memref<6256xf32, #tpu.memory_space<vmem>>, vector<16xf32>,
      %add3A_355 = arith.addi %mul3A_0, %add3A_352 : i32
      %add3A_356 = vector.broadcast %add3A_355 : i32 to vector<16xi32>
      %add3A_357 = arith.addi %add3A_356, %iota3A : vector<16xi32>
      %lt3A_358 = arith.constant 100000 : i32
      %lt3A_359 = vector.broadcast %lt3A_358 : i32 to vector<16xi32>
      %lt3A_360 = arith.cmpi slt, %add3A_357, %lt3A_359 : vector<16xi32>
      %mul3A_361 = vector.broadcast %sub3A_3 : f32 to vector<16xf32>
      %mul3A_362 = arith.mulf %get3A_354, %mul3A_361 : vector<16xf32>
      %jit3A_363 = arith.constant 0xFF800000 : f32
      %broadcast_in_dim3A_364 = vector.broadcast %jit3A_363 : f32 to vector<16xf32>
      %select_n3A_365 = arith.select %lt3A_360, %mul3A_362, %broadcast_in_dim3A_364 : vector<16xi1>, vector<16xf32>
      %masked_sort3A_366 = arith.constant dense<true> : vector<16xi1>
      %masked_sort3A_367, %masked_sort3A_368, %masked_sort3A_369 = tpu.sort %select_n3A_365, %add3A_357 masked %masked_sort3A_366 {descending = true} : (vector<16xf32>, vector<16xi32>, vector<16xi1>) -> (vector<16xi1>, vector<16xf32>, vector<16xi32>)
      %gt3A_370 = arith.cmpf ogt, %masked_sort3A_242, %masked_sort3A_221 : vector<16xf32>
      %select_n3A_371 = arith.select %gt3A_370, %masked_sort3A_242, %masked_sort3A_221 : vector<16xi1>, vector<16xf32>
      %select_n3A_372 = arith.select %gt3A_370, %masked_sort3A_243, %masked_sort3A_222 : vector<16xi1>, vector<16xi32>
      %masked_sort3A_373 = arith.constant dense<true> : vector<16xi1>
      %masked_sort3A_374, %masked_sort3A_375, %masked_sort3A_376 = tpu.sort %select_n3A_371, %select_n3A_372 masked %masked_sort3A_373 : (vector<16xf32>, vector<16xi32>, vector<16xi1>) -> (vector<16xi1>, vector<16xf32>, vector<16xi32>)
      %gt3A_377 = arith.cmpf ogt, %masked_sort3A_284, %masked_sort3A_263 : vector<16xf32>
      %select_n3A_378 = arith.select %gt3A_377, %masked_sort3A_284, %masked_sort3A_263 : vector<16xi1>, vector<16xf32>
      %select_n3A_379 = arith.select %gt3A_377, %masked_sort3A_285, %masked_sort3A_264 : vector<16xi1>, vector<16xi32>
      %masked_sort3A_380 = arith.constant dense<true> : vector<16xi1>
      %masked_sort3A_381, %masked_sort3A_382, %masked_sort3A_383 = tpu.sort %select_n3A_378, %select_n3A_379 masked %masked_sort3A_380 {descending = true} : (vector<16xf32>, vector<16xi32>, vector<16xi1>) -> (vector<16xi1>, vector<16xf32>, vector<16xi32>)
      %gt3A_384 = arith.cmpf ogt, %masked_sort3A_326, %masked_sort3A_305 : vector<16xf32>
      %select_n3A_385 = arith.select %gt3A_384, %masked_sort3A_326, %masked_sort3A_305 : vector<16xi1>, vector<16xf32>
      %select_n3A_386 = arith.select %gt3A_384, %masked_sort3A_327, %masked_sort3A_306 : vector<16xi1>, vector<16xi32>
      %masked_sort3A_387 = arith.constant dense<true> : vector<16xi1>
      %masked_sort3A_388, %masked_sort3A_389, %masked_sort3A_390 = tpu.sort %select_n3A_385, %select_n3A_386 masked %masked_sort3A_387 : (vector<16xf32>, vector<16xi32>, vector<16xi1>) -> (vector<16xi1>, vector<16xf32>, vector<16xi32>)
      %gt3A_391 = arith.cmpf ogt, %masked_sort3A_368, %masked_sort3A_347 : vector<16xf32>
      %select_n3A_392 = arith.select %gt3A_391, %masked_sort3A_368, %masked_sort3A_347 : vector<16xi1>, vector<16xf32>
      %select_n3A_393 = arith.select %gt3A_391, %masked_sort3A_369, %masked_sort3A_348 : vector<16xi1>, vector<16xi32>
      %masked_sort3A_394 = arith.constant dense<true> : vector<16xi1>
      %masked_sort3A_395, %masked_sort3A_396, %masked_sort3A_397 = tpu.sort %select_n3A_392, %select_n3A_393 masked %masked_sort3A_394 {descending = true} : (vector<16xf32>, vector<16xi32>, vector<16xi1>) -> (vector<16xi1>, vector<16xf32>, vector<16xi32>)
      %gt3A_398 = arith.cmpf ogt, %masked_sort3A_382, %masked_sort3A_375 : vector<16xf32>
      %select_n3A_399 = arith.select %gt3A_398, %masked_sort3A_382, %masked_sort3A_375 : vector<16xi1>, vector<16xf32>
      %select_n3A_400 = arith.select %gt3A_398, %masked_sort3A_383, %masked_sort3A_376 : vector<16xi1>, vector<16xi32>
      %masked_sort3A_401 = arith.constant dense<true> : vector<16xi1>
      %masked_sort3A_402, %masked_sort3A_403, %masked_sort3A_404 = tpu.sort %select_n3A_399, %select_n3A_400 masked %masked_sort3A_401 : (vector<16xf32>, vector<16xi32>, vector<16xi1>) -> (vector<16xi1>, vector<16xf32>, vector<16xi32>)
      %gt3A_405 = arith.cmpf ogt, %masked_sort3A_396, %masked_sort3A_389 : vector<16xf32>
      %select_n3A_406 = arith.select %gt3A_405, %masked_sort3A_396, %masked_sort3A_389 : vector<16xi1>, vector<16xf32>
      %select_n3A_407 = arith.select %gt3A_405, %masked_sort3A_397, %masked_sort3A_390 : vector<16xi1>, vector<16xi32>
      %masked_sort3A_408 = arith.constant dense<true> : vector<16xi1>
      %masked_sort3A_409, %masked_sort3A_410, %masked_sort3A_411 = tpu.sort %select_n3A_406, %select_n3A_407 masked %masked_sort3A_408 {descending = true} : (vector<16xf32>, vector<16xi32>, vector<16xi1>) -> (vector<16xi1>, vector<16xf32>, vector<16xi32>)
      %gt3A_412 = arith.cmpf ogt, %masked_sort3A_410, %masked_sort3A_403 : vector<16xf32>
      %select_n3A_413 = arith.select %gt3A_412, %masked_sort3A_410, %masked_sort3A_403 : vector<16xi1>, vector<16xf32>
      %select_n3A_414 = arith.select %gt3A_412, %masked_sort3A_411, %masked_sort3A_404 : vector<16xi1>, vector<16xi32>
      %masked_sort3A_415 = arith.constant dense<true> : vector<16xi1>
      %masked_sort3A_416, %masked_sort3A_417, %masked_sort3A_418 = tpu.sort %select_n3A_413, %select_n3A_414 masked %masked_sort3A_415 {descending = true} : (vector<16xf32>, vector<16xi32>, vector<16xi1>) -> (vector<16xi1>, vector<16xf32>, vector<16xi32>)
      %gt3A_419 = arith.cmpf ogt, %masked_sort3A_417, %scan3A_200 : vector<16xf32>
      %select_n3A_420 = arith.select %gt3A_419, %masked_sort3A_417, %scan3A_200 : vector<16xi1>, vector<16xf32>
      %select_n3A_421 = arith.select %gt3A_419, %masked_sort3A_418, %scan3A_201 : vector<16xi1>, vector<16xi32>
      %masked_sort3A_422 = arith.constant dense<true> : vector<16xi1>
      %masked_sort3A_423, %masked_sort3A_424, %masked_sort3A_425 = tpu.sort %select_n3A_420, %select_n3A_421 masked %masked_sort3A_422 : (vector<16xf32>, vector<16xi32>, vector<16xi1>) -> (vector<16xi1>, vector<16xf32>, vector<16xi32>)
      scf.yield %masked_sort3A_424, %masked_sort3A_425 : vector<16xf32>, vector<16xi32>
    }
    %scan3A_11 = arith.constant 48 : i32
    %get3A = arith.constant 6144 : index
    %get3A_12 = tpu.vector_load %arg6[%get3A] {strides = array<i32>} : memref<6256xf32, #tpu.memory_space<vmem>>, vector<16xf32>,
    %add3A = arith.constant 6144 : i32
    %add3A_13 = arith.addi %mul3A_0, %add3A : i32
    %add3A_14 = vector.broadcast %add3A_13 : i32 to vector<16xi32>
    %add3A_15 = arith.addi %add3A_14, %iota3A : vector<16xi32>
    %lt3A = arith.constant 100000 : i32
    %lt3A_16 = vector.broadcast %lt3A : i32 to vector<16xi32>
    %lt3A_17 = arith.cmpi slt, %add3A_15, %lt3A_16 : vector<16xi32>
    %mul3A_18 = vector.broadcast %sub3A_3 : f32 to vector<16xf32>
    %mul3A_19 = arith.mulf %get3A_12, %mul3A_18 : vector<16xf32>
    %jit3A = arith.constant 0xFF800000 : f32
    %broadcast_in_dim3A_20 = vector.broadcast %jit3A : f32 to vector<16xf32>
    %select_n3A = arith.select %lt3A_17, %mul3A_19, %broadcast_in_dim3A_20 : vector<16xi1>, vector<16xf32>
    %masked_sort3A = arith.constant dense<true> : vector<16xi1>
    %masked_sort3A_21, %masked_sort3A_22, %masked_sort3A_23 = tpu.sort %select_n3A, %add3A_15 masked %masked_sort3A {descending = true} : (vector<16xf32>, vector<16xi32>, vector<16xi1>) -> (vector<16xi1>, vector<16xf32>, vector<16xi32>)
    %gt3A = arith.cmpf ogt, %masked_sort3A_22, %scan3A_10#0 : vector<16xf32>
    %select_n3A_24 = arith.select %gt3A, %masked_sort3A_22, %scan3A_10#0 : vector<16xi1>, vector<16xf32>
    %select_n3A_25 = arith.select %gt3A, %masked_sort3A_23, %scan3A_10#1 : vector<16xi1>, vector<16xi32>
    %masked_sort3A_26 = arith.constant dense<true> : vector<16xi1>
    %masked_sort3A_27, %masked_sort3A_28, %masked_sort3A_29 = tpu.sort %select_n3A_24, %select_n3A_25 masked %masked_sort3A_26 : (vector<16xf32>, vector<16xi32>, vector<16xi1>) -> (vector<16xi1>, vector<16xf32>, vector<16xi32>)
    %get3A_30 = arith.constant 6160 : index
    %get3A_31 = tpu.vector_load %arg6[%get3A_30] {strides = array<i32>} : memref<6256xf32, #tpu.memory_space<vmem>>, vector<16xf32>,
    %add3A_32 = arith.constant 6160 : i32
    %add3A_33 = arith.addi %mul3A_0, %add3A_32 : i32
    %add3A_34 = vector.broadcast %add3A_33 : i32 to vector<16xi32>
    %add3A_35 = arith.addi %add3A_34, %iota3A : vector<16xi32>
    %lt3A_36 = arith.constant 100000 : i32
    %lt3A_37 = vector.broadcast %lt3A_36 : i32 to vector<16xi32>
    %lt3A_38 = arith.cmpi slt, %add3A_35, %lt3A_37 : vector<16xi32>
    %mul3A_39 = vector.broadcast %sub3A_3 : f32 to vector<16xf32>
    %mul3A_40 = arith.mulf %get3A_31, %mul3A_39 : vector<16xf32>
    %jit3A_41 = arith.constant 0xFF800000 : f32
    %broadcast_in_dim3A_42 = vector.broadcast %jit3A_41 : f32 to vector<16xf32>
    %select_n3A_43 = arith.select %lt3A_38, %mul3A_40, %broadcast_in_dim3A_42 : vector<16xi1>, vector<16xf32>
    %masked_sort3A_44 = arith.constant dense<true> : vector<16xi1>
    %masked_sort3A_45, %masked_sort3A_46, %masked_sort3A_47 = tpu.sort %select_n3A_43, %add3A_35 masked %masked_sort3A_44 {descending = true} : (vector<16xf32>, vector<16xi32>, vector<16xi1>) -> (vector<16xi1>, vector<16xf32>, vector<16xi32>)
    %gt3A_48 = arith.cmpf ogt, %masked_sort3A_46, %masked_sort3A_28 : vector<16xf32>
    %select_n3A_49 = arith.select %gt3A_48, %masked_sort3A_46, %masked_sort3A_28 : vector<16xi1>, vector<16xf32>
    %select_n3A_50 = arith.select %gt3A_48, %masked_sort3A_47, %masked_sort3A_29 : vector<16xi1>, vector<16xi32>
    %masked_sort3A_51 = arith.constant dense<true> : vector<16xi1>
    %masked_sort3A_52, %masked_sort3A_53, %masked_sort3A_54 = tpu.sort %select_n3A_49, %select_n3A_50 masked %masked_sort3A_51 : (vector<16xf32>, vector<16xi32>, vector<16xi1>) -> (vector<16xi1>, vector<16xf32>, vector<16xi32>)
    %get3A_55 = arith.constant 6176 : index
    %get3A_56 = tpu.vector_load %arg6[%get3A_55] {strides = array<i32>} : memref<6256xf32, #tpu.memory_space<vmem>>, vector<16xf32>,
    %add3A_57 = arith.constant 6176 : i32
    %add3A_58 = arith.addi %mul3A_0, %add3A_57 : i32
    %add3A_59 = vector.broadcast %add3A_58 : i32 to vector<16xi32>
    %add3A_60 = arith.addi %add3A_59, %iota3A : vector<16xi32>
    %lt3A_61 = arith.constant 100000 : i32
    %lt3A_62 = vector.broadcast %lt3A_61 : i32 to vector<16xi32>
    %lt3A_63 = arith.cmpi slt, %add3A_60, %lt3A_62 : vector<16xi32>
    %mul3A_64 = vector.broadcast %sub3A_3 : f32 to vector<16xf32>
    %mul3A_65 = arith.mulf %get3A_56, %mul3A_64 : vector<16xf32>
    %jit3A_66 = arith.constant 0xFF800000 : f32
    %broadcast_in_dim3A_67 = vector.broadcast %jit3A_66 : f32 to vector<16xf32>
    %select_n3A_68 = arith.select %lt3A_63, %mul3A_65, %broadcast_in_dim3A_67 : vector<16xi1>, vector<16xf32>
    %masked_sort3A_69 = arith.constant dense<true> : vector<16xi1>
    %masked_sort3A_70, %masked_sort3A_71, %masked_sort3A_72 = tpu.sort %select_n3A_68, %add3A_60 masked %masked_sort3A_69 {descending = true} : (vector<16xf32>, vector<16xi32>, vector<16xi1>) -> (vector<16xi1>, vector<16xf32>, vector<16xi32>)
    %gt3A_73 = arith.cmpf ogt, %masked_sort3A_71, %masked_sort3A_53 : vector<16xf32>
    %select_n3A_74 = arith.select %gt3A_73, %masked_sort3A_71, %masked_sort3A_53 : vector<16xi1>, vector<16xf32>
    %select_n3A_75 = arith.select %gt3A_73, %masked_sort3A_72, %masked_sort3A_54 : vector<16xi1>, vector<16xi32>
    %masked_sort3A_76 = arith.constant dense<true> : vector<16xi1>
    %masked_sort3A_77, %masked_sort3A_78, %masked_sort3A_79 = tpu.sort %select_n3A_74, %select_n3A_75 masked %masked_sort3A_76 : (vector<16xf32>, vector<16xi32>, vector<16xi1>) -> (vector<16xi1>, vector<16xf32>, vector<16xi32>)
    %get3A_80 = arith.constant 6192 : index
    %get3A_81 = tpu.vector_load %arg6[%get3A_80] {strides = array<i32>} : memref<6256xf32, #tpu.memory_space<vmem>>, vector<16xf32>,
    %add3A_82 = arith.constant 6192 : i32
    %add3A_83 = arith.addi %mul3A_0, %add3A_82 : i32
    %add3A_84 = vector.broadcast %add3A_83 : i32 to vector<16xi32>
    %add3A_85 = arith.addi %add3A_84, %iota3A : vector<16xi32>
    %lt3A_86 = arith.constant 100000 : i32
    %lt3A_87 = vector.broadcast %lt3A_86 : i32 to vector<16xi32>
    %lt3A_88 = arith.cmpi slt, %add3A_85, %lt3A_87 : vector<16xi32>
    %mul3A_89 = vector.broadcast %sub3A_3 : f32 to vector<16xf32>
    %mul3A_90 = arith.mulf %get3A_81, %mul3A_89 : vector<16xf32>
    %jit3A_91 = arith.constant 0xFF800000 : f32
    %broadcast_in_dim3A_92 = vector.broadcast %jit3A_91 : f32 to vector<16xf32>
    %select_n3A_93 = arith.select %lt3A_88, %mul3A_90, %broadcast_in_dim3A_92 : vector<16xi1>, vector<16xf32>
    %masked_sort3A_94 = arith.constant dense<true> : vector<16xi1>
    %masked_sort3A_95, %masked_sort3A_96, %masked_sort3A_97 = tpu.sort %select_n3A_93, %add3A_85 masked %masked_sort3A_94 {descending = true} : (vector<16xf32>, vector<16xi32>, vector<16xi1>) -> (vector<16xi1>, vector<16xf32>, vector<16xi32>)
    %gt3A_98 = arith.cmpf ogt, %masked_sort3A_96, %masked_sort3A_78 : vector<16xf32>
    %select_n3A_99 = arith.select %gt3A_98, %masked_sort3A_96, %masked_sort3A_78 : vector<16xi1>, vector<16xf32>
    %select_n3A_100 = arith.select %gt3A_98, %masked_sort3A_97, %masked_sort3A_79 : vector<16xi1>, vector<16xi32>
    %masked_sort3A_101 = arith.constant dense<true> : vector<16xi1>
    %masked_sort3A_102, %masked_sort3A_103, %masked_sort3A_104 = tpu.sort %select_n3A_99, %select_n3A_100 masked %masked_sort3A_101 : (vector<16xf32>, vector<16xi32>, vector<16xi1>) -> (vector<16xi1>, vector<16xf32>, vector<16xi32>)
    %get3A_105 = arith.constant 6208 : index
    %get3A_106 = tpu.vector_load %arg6[%get3A_105] {strides = array<i32>} : memref<6256xf32, #tpu.memory_space<vmem>>, vector<16xf32>,
    %add3A_107 = arith.constant 6208 : i32
    %add3A_108 = arith.addi %mul3A_0, %add3A_107 : i32
    %add3A_109 = vector.broadcast %add3A_108 : i32 to vector<16xi32>
    %add3A_110 = arith.addi %add3A_109, %iota3A : vector<16xi32>
    %lt3A_111 = arith.constant 100000 : i32
    %lt3A_112 = vector.broadcast %lt3A_111 : i32 to vector<16xi32>
    %lt3A_113 = arith.cmpi slt, %add3A_110, %lt3A_112 : vector<16xi32>
    %mul3A_114 = vector.broadcast %sub3A_3 : f32 to vector<16xf32>
    %mul3A_115 = arith.mulf %get3A_106, %mul3A_114 : vector<16xf32>
    %jit3A_116 = arith.constant 0xFF800000 : f32
    %broadcast_in_dim3A_117 = vector.broadcast %jit3A_116 : f32 to vector<16xf32>
    %select_n3A_118 = arith.select %lt3A_113, %mul3A_115, %broadcast_in_dim3A_117 : vector<16xi1>, vector<16xf32>
    %masked_sort3A_119 = arith.constant dense<true> : vector<16xi1>
    %masked_sort3A_120, %masked_sort3A_121, %masked_sort3A_122 = tpu.sort %select_n3A_118, %add3A_110 masked %masked_sort3A_119 {descending = true} : (vector<16xf32>, vector<16xi32>, vector<16xi1>) -> (vector<16xi1>, vector<16xf32>, vector<16xi32>)
    %gt3A_123 = arith.cmpf ogt, %masked_sort3A_121, %masked_sort3A_103 : vector<16xf32>
    %select_n3A_124 = arith.select %gt3A_123, %masked_sort3A_121, %masked_sort3A_103 : vector<16xi1>, vector<16xf32>
    %select_n3A_125 = arith.select %gt3A_123, %masked_sort3A_122, %masked_sort3A_104 : vector<16xi1>, vector<16xi32>
    %masked_sort3A_126 = arith.constant dense<true> : vector<16xi1>
    %masked_sort3A_127, %masked_sort3A_128, %masked_sort3A_129 = tpu.sort %select_n3A_124, %select_n3A_125 masked %masked_sort3A_126 : (vector<16xf32>, vector<16xi32>, vector<16xi1>) -> (vector<16xi1>, vector<16xf32>, vector<16xi32>)
    %get3A_130 = arith.constant 6224 : index
    %get3A_131 = tpu.vector_load %arg6[%get3A_130] {strides = array<i32>} : memref<6256xf32, #tpu.memory_space<vmem>>, vector<16xf32>,
    %add3A_132 = arith.constant 6224 : i32
    %add3A_133 = arith.addi %mul3A_0, %add3A_132 : i32
    %add3A_134 = vector.broadcast %add3A_133 : i32 to vector<16xi32>
    %add3A_135 = arith.addi %add3A_134, %iota3A : vector<16xi32>
    %lt3A_136 = arith.constant 100000 : i32
    %lt3A_137 = vector.broadcast %lt3A_136 : i32 to vector<16xi32>
    %lt3A_138 = arith.cmpi slt, %add3A_135, %lt3A_137 : vector<16xi32>
    %mul3A_139 = vector.broadcast %sub3A_3 : f32 to vector<16xf32>
    %mul3A_140 = arith.mulf %get3A_131, %mul3A_139 : vector<16xf32>
    %jit3A_141 = arith.constant 0xFF800000 : f32
    %broadcast_in_dim3A_142 = vector.broadcast %jit3A_141 : f32 to vector<16xf32>
    %select_n3A_143 = arith.select %lt3A_138, %mul3A_140, %broadcast_in_dim3A_142 : vector<16xi1>, vector<16xf32>
    %masked_sort3A_144 = arith.constant dense<true> : vector<16xi1>
    %masked_sort3A_145, %masked_sort3A_146, %masked_sort3A_147 = tpu.sort %select_n3A_143, %add3A_135 masked %masked_sort3A_144 {descending = true} : (vector<16xf32>, vector<16xi32>, vector<16xi1>) -> (vector<16xi1>, vector<16xf32>, vector<16xi32>)
    %gt3A_148 = arith.cmpf ogt, %masked_sort3A_146, %masked_sort3A_128 : vector<16xf32>
    %select_n3A_149 = arith.select %gt3A_148, %masked_sort3A_146, %masked_sort3A_128 : vector<16xi1>, vector<16xf32>
    %select_n3A_150 = arith.select %gt3A_148, %masked_sort3A_147, %masked_sort3A_129 : vector<16xi1>, vector<16xi32>
    %masked_sort3A_151 = arith.constant dense<true> : vector<16xi1>
    %masked_sort3A_152, %masked_sort3A_153, %masked_sort3A_154 = tpu.sort %select_n3A_149, %select_n3A_150 masked %masked_sort3A_151 : (vector<16xf32>, vector<16xi32>, vector<16xi1>) -> (vector<16xi1>, vector<16xf32>, vector<16xi32>)
    %get3A_155 = arith.constant 6240 : index
    %get3A_156 = tpu.vector_load %arg6[%get3A_155] {strides = array<i32>} : memref<6256xf32, #tpu.memory_space<vmem>>, vector<16xf32>,
    %add3A_157 = arith.constant 6240 : i32
    %add3A_158 = arith.addi %mul3A_0, %add3A_157 : i32
    %add3A_159 = vector.broadcast %add3A_158 : i32 to vector<16xi32>
    %add3A_160 = arith.addi %add3A_159, %iota3A : vector<16xi32>
    %lt3A_161 = arith.constant 100000 : i32
    %lt3A_162 = vector.broadcast %lt3A_161 : i32 to vector<16xi32>
    %lt3A_163 = arith.cmpi slt, %add3A_160, %lt3A_162 : vector<16xi32>
    %mul3A_164 = vector.broadcast %sub3A_3 : f32 to vector<16xf32>
    %mul3A_165 = arith.mulf %get3A_156, %mul3A_164 : vector<16xf32>
    %jit3A_166 = arith.constant 0xFF800000 : f32
    %broadcast_in_dim3A_167 = vector.broadcast %jit3A_166 : f32 to vector<16xf32>
    %select_n3A_168 = arith.select %lt3A_163, %mul3A_165, %broadcast_in_dim3A_167 : vector<16xi1>, vector<16xf32>
    %masked_sort3A_169 = arith.constant dense<true> : vector<16xi1>
    %masked_sort3A_170, %masked_sort3A_171, %masked_sort3A_172 = tpu.sort %select_n3A_168, %add3A_160 masked %masked_sort3A_169 {descending = true} : (vector<16xf32>, vector<16xi32>, vector<16xi1>) -> (vector<16xi1>, vector<16xf32>, vector<16xi32>)
    %gt3A_173 = arith.cmpf ogt, %masked_sort3A_171, %masked_sort3A_153 : vector<16xf32>
    %select_n3A_174 = arith.select %gt3A_173, %masked_sort3A_171, %masked_sort3A_153 : vector<16xi1>, vector<16xf32>
    %select_n3A_175 = arith.select %gt3A_173, %masked_sort3A_172, %masked_sort3A_154 : vector<16xi1>, vector<16xi32>
    %masked_sort3A_176 = arith.constant dense<true> : vector<16xi1>
    %masked_sort3A_177, %masked_sort3A_178, %masked_sort3A_179 = tpu.sort %select_n3A_174, %select_n3A_175 masked %masked_sort3A_176 : (vector<16xf32>, vector<16xi32>, vector<16xi1>) -> (vector<16xi1>, vector<16xf32>, vector<16xi32>)
    %rev3A = arith.constant 15 : i32
    %rev3A_180 = vector.broadcast %rev3A : i32 to vector<16xi32>
    %rev3A_181 = tpu.iota {dimensions = array<i32: 0>} : vector<16xi32>
    %rev3A_182 = arith.subi %rev3A_180, %rev3A_181 : vector<16xi32>
    %rev3A_183 = tpu.dynamic_gather %masked_sort3A_178[%rev3A_182] in [0] : vector<16xf32>, vector<16xi32> -> vector<16xf32>
    %swap3A = arith.constant 0 : index
    %swap3A_184 = tpu.vector_load %arg9[%swap3A] {strides = array<i32>} : memref<16xf32, #tpu.memory_space<vmem>>, vector<16xf32>,
    tpu.vector_store %arg9[%swap3A], %rev3A_183 {strides = array<i32>} : memref<16xf32, #tpu.memory_space<vmem>>, vector<16xf32>,
    %rev3A_185 = arith.constant 15 : i32
    %rev3A_186 = vector.broadcast %rev3A_185 : i32 to vector<16xi32>
    %rev3A_187 = tpu.iota {dimensions = array<i32: 0>} : vector<16xi32>
    %rev3A_188 = arith.subi %rev3A_186, %rev3A_187 : vector<16xi32>
    %rev3A_189 = tpu.dynamic_gather %masked_sort3A_179[%rev3A_188] in [0] : vector<16xi32>, vector<16xi32> -> vector<16xi32>
    %swap3A_190 = arith.constant 0 : index
    %swap3A_191 = tpu.vector_load %arg10[%swap3A_190] {strides = array<i32>} : memref<16xi32, #tpu.memory_space<vmem>>, vector<16xi32>,
    tpu.vector_store %arg10[%swap3A_190], %rev3A_189 {strides = array<i32>} : memref<16xi32, #tpu.memory_space<vmem>>, vector<16xi32>,
    %mul3A_192 = arith.constant 16 : i32
    %mul3A_193 = arith.muli %arg1, %mul3A_192 : i32
    "tpu.region"() ({
      %run_scoped3A = tpu.sem_alloc : memref<!tpu.dma_semaphore, #tpu.memory_space<semaphore_mem>>
      %dma_start3A = tpu.memref_slice %arg11[%mul3A_193] : memref<256xf32, #tpu.memory_space<vmem_shared>> -> memref<16xf32, #tpu.memory_space<vmem_shared>>
      %dma_start3A_199 = tpu.memref_slice %arg11[%mul3A_193] : memref<256xf32, #tpu.memory_space<vmem_shared>> -> memref<16xf32, #tpu.memory_space<vmem_shared>>
      tpu.enqueue_dma source(%arg9 : memref<16xf32, #tpu.memory_space<vmem>>) target(%dma_start3A_199 : memref<16xf32, #tpu.memory_space<vmem_shared>>) target_semaphore(%run_scoped3A : memref<!tpu.dma_semaphore, #tpu.memory_space<semaphore_mem>>)
      %dma_wait3A = tpu.memref_slice %arg11[%mul3A_193] : memref<256xf32, #tpu.memory_space<vmem_shared>> -> memref<16xf32, #tpu.memory_space<vmem_shared>>
      %dma_wait3A_200 = tpu.memref_slice %arg11[%mul3A_193] : memref<256xf32, #tpu.memory_space<vmem_shared>> -> memref<16xf32, #tpu.memory_space<vmem_shared>>
      tpu.wait_dma2 semaphore(%run_scoped3A : memref<!tpu.dma_semaphore, #tpu.memory_space<semaphore_mem>>) src(%arg9 : memref<16xf32, #tpu.memory_space<vmem>>) dst(%dma_wait3A_200 : memref<16xf32, #tpu.memory_space<vmem_shared>>)
      tpu.yield
    }) : () -> ()
    %mul3A_194 = arith.constant 16 : i32
    %mul3A_195 = arith.muli %arg1, %mul3A_194 : i32
    "tpu.region"() ({
      %run_scoped3A = tpu.sem_alloc : memref<!tpu.dma_semaphore, #tpu.memory_space<semaphore_mem>>
      %dma_start3A = tpu.memref_slice %arg12[%mul3A_195] : memref<256xi32, #tpu.memory_space<vmem_shared>> -> memref<16xi32, #tpu.memory_space<vmem_shared>>
      %dma_start3A_199 = tpu.memref_slice %arg12[%mul3A_195] : memref<256xi32, #tpu.memory_space<vmem_shared>> -> memref<16xi32, #tpu.memory_space<vmem_shared>>
      tpu.enqueue_dma source(%arg10 : memref<16xi32, #tpu.memory_space<vmem>>) target(%dma_start3A_199 : memref<16xi32, #tpu.memory_space<vmem_shared>>) target_semaphore(%run_scoped3A : memref<!tpu.dma_semaphore, #tpu.memory_space<semaphore_mem>>)
      %dma_wait3A = tpu.memref_slice %arg12[%mul3A_195] : memref<256xi32, #tpu.memory_space<vmem_shared>> -> memref<16xi32, #tpu.memory_space<vmem_shared>>
      %dma_wait3A_200 = tpu.memref_slice %arg12[%mul3A_195] : memref<256xi32, #tpu.memory_space<vmem_shared>> -> memref<16xi32, #tpu.memory_space<vmem_shared>>
      tpu.wait_dma2 semaphore(%run_scoped3A : memref<!tpu.dma_semaphore, #tpu.memory_space<semaphore_mem>>) src(%arg10 : memref<16xi32, #tpu.memory_space<vmem>>) dst(%dma_wait3A_200 : memref<16xi32, #tpu.memory_space<vmem_shared>>)
      tpu.yield
    }) : () -> ()
    %barrier3A = arith.constant 0 : index
    tpu.barrier barrier_id(%barrier3A)
    %eq3A = arith.constant 0 : i32
    %eq3A_196 = arith.cmpi eq, %arg1, %eq3A : i32
    %convert_element_type3A_197 = arith.extui %eq3A_196 : i1 to i32
    %cond3A = arith.constant 0 : i32
    %cond3A_198 = arith.cmpi ne, %convert_element_type3A_197, %cond3A : i32
    scf.if %cond3A_198 {
      "tpu.region"() ({
        %run_scoped3A = tpu.sem_alloc : memref<!tpu.dma_semaphore, #tpu.memory_space<semaphore_mem>>
        tpu.enqueue_dma source(%arg11 : memref<256xf32, #tpu.memory_space<vmem_shared>>) target(%arg13 : memref<256xf32, #tpu.memory_space<vmem>>) target_semaphore(%run_scoped3A : memref<!tpu.dma_semaphore, #tpu.memory_space<semaphore_mem>>)
        tpu.wait_dma2 semaphore(%run_scoped3A : memref<!tpu.dma_semaphore, #tpu.memory_space<semaphore_mem>>) src(%arg11 : memref<256xf32, #tpu.memory_space<vmem_shared>>) dst(%arg13 : memref<256xf32, #tpu.memory_space<vmem>>)
        tpu.yield
      }) : () -> ()
      "tpu.region"() ({
        %run_scoped3A = tpu.sem_alloc : memref<!tpu.dma_semaphore, #tpu.memory_space<semaphore_mem>>
        tpu.enqueue_dma source(%arg12 : memref<256xi32, #tpu.memory_space<vmem_shared>>) target(%arg14 : memref<256xi32, #tpu.memory_space<vmem>>) target_semaphore(%run_scoped3A : memref<!tpu.dma_semaphore, #tpu.memory_space<semaphore_mem>>)
        tpu.wait_dma2 semaphore(%run_scoped3A : memref<!tpu.dma_semaphore, #tpu.memory_space<semaphore_mem>>) src(%arg12 : memref<256xi32, #tpu.memory_space<vmem_shared>>) dst(%arg14 : memref<256xi32, #tpu.memory_space<vmem>>)
        tpu.yield
      }) : () -> ()
      "tpu.region"() ({
        %run_scoped3A = tpu.sem_alloc : memref<!tpu.dma_semaphore, #tpu.memory_space<semaphore_mem>>
        %dma_start3A_488 = arith.constant 0 : i32
        %dma_start3A_489 = tpu.memref_slice %arg4[%dma_start3A_488] : memref<1040xf32, #tpu.memory_space<hbm>> -> memref<1024xf32, #tpu.memory_space<hbm>>
        %dma_start3A_490 = arith.constant 0 : i32
        %dma_start3A_491 = tpu.memref_slice %arg4[%dma_start3A_490] : memref<1040xf32, #tpu.memory_space<hbm>> -> memref<1024xf32, #tpu.memory_space<hbm>>
        tpu.enqueue_dma source(%dma_start3A_491 : memref<1024xf32, #tpu.memory_space<hbm>>) target(%arg7 : memref<1024xf32, #tpu.memory_space<vmem>>) target_semaphore(%run_scoped3A : memref<!tpu.dma_semaphore, #tpu.memory_space<semaphore_mem>>)
        %dma_wait3A_492 = arith.constant 0 : i32
        %dma_wait3A_493 = tpu.memref_slice %arg4[%dma_wait3A_492] : memref<1040xf32, #tpu.memory_space<hbm>> -> memref<1024xf32, #tpu.memory_space<hbm>>
        %dma_wait3A_494 = arith.constant 0 : i32
        %dma_wait3A_495 = tpu.memref_slice %arg4[%dma_wait3A_494] : memref<1040xf32, #tpu.memory_space<hbm>> -> memref<1024xf32, #tpu.memory_space<hbm>>
        tpu.wait_dma2 semaphore(%run_scoped3A : memref<!tpu.dma_semaphore, #tpu.memory_space<semaphore_mem>>) src(%dma_wait3A_495 : memref<1024xf32, #tpu.memory_space<hbm>>) dst(%arg7 : memref<1024xf32, #tpu.memory_space<vmem>>)
        tpu.yield
      }) : () -> ()
      "tpu.region"() ({
        %run_scoped3A = tpu.sem_alloc : memref<!tpu.dma_semaphore, #tpu.memory_space<semaphore_mem>>
        %dma_start3A_488 = arith.constant 1024 : i32
        %dma_start3A_489 = tpu.memref_slice %arg4[%dma_start3A_488] : memref<1040xf32, #tpu.memory_space<hbm>> -> memref<16xf32, #tpu.memory_space<hbm>>
        %dma_start3A_490 = arith.constant 1024 : i32
        %dma_start3A_491 = tpu.memref_slice %arg4[%dma_start3A_490] : memref<1040xf32, #tpu.memory_space<hbm>> -> memref<16xf32, #tpu.memory_space<hbm>>
        tpu.enqueue_dma source(%dma_start3A_491 : memref<16xf32, #tpu.memory_space<hbm>>) target(%arg8 : memref<16xf32, #tpu.memory_space<vmem>>) target_semaphore(%run_scoped3A : memref<!tpu.dma_semaphore, #tpu.memory_space<semaphore_mem>>)
        %dma_wait3A_492 = arith.constant 1024 : i32
        %dma_wait3A_493 = tpu.memref_slice %arg4[%dma_wait3A_492] : memref<1040xf32, #tpu.memory_space<hbm>> -> memref<16xf32, #tpu.memory_space<hbm>>
        %dma_wait3A_494 = arith.constant 1024 : i32
        %dma_wait3A_495 = tpu.memref_slice %arg4[%dma_wait3A_494] : memref<1040xf32, #tpu.memory_space<hbm>> -> memref<16xf32, #tpu.memory_space<hbm>>
        tpu.wait_dma2 semaphore(%run_scoped3A : memref<!tpu.dma_semaphore, #tpu.memory_space<semaphore_mem>>) src(%dma_wait3A_495 : memref<16xf32, #tpu.memory_space<hbm>>) dst(%arg8 : memref<16xf32, #tpu.memory_space<vmem>>)
        tpu.yield
      }) : () -> ()
      %get3A_199 = arith.constant 0 : index
      %get3A_200 = tpu.vector_load %arg13[%get3A_199] {strides = array<i32>} : memref<256xf32, #tpu.memory_space<vmem>>, vector<16xf32>,
      %get3A_201 = arith.constant 0 : index
      %get3A_202 = tpu.vector_load %arg14[%get3A_201] {strides = array<i32>} : memref<256xi32, #tpu.memory_space<vmem>>, vector<16xi32>,
      %rev3A_203 = arith.constant 15 : i32
      %rev3A_204 = vector.broadcast %rev3A_203 : i32 to vector<16xi32>
      %rev3A_205 = tpu.iota {dimensions = array<i32: 0>} : vector<16xi32>
      %rev3A_206 = arith.subi %rev3A_204, %rev3A_205 : vector<16xi32>
      %rev3A_207 = tpu.dynamic_gather %get3A_200[%rev3A_206] in [0] : vector<16xf32>, vector<16xi32> -> vector<16xf32>
      %rev3A_208 = arith.constant 15 : i32
      %rev3A_209 = vector.broadcast %rev3A_208 : i32 to vector<16xi32>
      %rev3A_210 = tpu.iota {dimensions = array<i32: 0>} : vector<16xi32>
      %rev3A_211 = arith.subi %rev3A_209, %rev3A_210 : vector<16xi32>
      %rev3A_212 = tpu.dynamic_gather %get3A_202[%rev3A_211] in [0] : vector<16xi32>, vector<16xi32> -> vector<16xi32>
      %get3A_213 = arith.constant 16 : index
      %get3A_214 = tpu.vector_load %arg13[%get3A_213] {strides = array<i32>} : memref<256xf32, #tpu.memory_space<vmem>>, vector<16xf32>,
      %get3A_215 = arith.constant 16 : index
      %get3A_216 = tpu.vector_load %arg14[%get3A_215] {strides = array<i32>} : memref<256xi32, #tpu.memory_space<vmem>>, vector<16xi32>,
      %get3A_217 = arith.constant 32 : index
      %get3A_218 = tpu.vector_load %arg13[%get3A_217] {strides = array<i32>} : memref<256xf32, #tpu.memory_space<vmem>>, vector<16xf32>,
      %get3A_219 = arith.constant 32 : index
      %get3A_220 = tpu.vector_load %arg14[%get3A_219] {strides = array<i32>} : memref<256xi32, #tpu.memory_space<vmem>>, vector<16xi32>,
      %rev3A_221 = arith.constant 15 : i32
      %rev3A_222 = vector.broadcast %rev3A_221 : i32 to vector<16xi32>
      %rev3A_223 = tpu.iota {dimensions = array<i32: 0>} : vector<16xi32>
      %rev3A_224 = arith.subi %rev3A_222, %rev3A_223 : vector<16xi32>
      %rev3A_225 = tpu.dynamic_gather %get3A_218[%rev3A_224] in [0] : vector<16xf32>, vector<16xi32> -> vector<16xf32>
      %rev3A_226 = arith.constant 15 : i32
      %rev3A_227 = vector.broadcast %rev3A_226 : i32 to vector<16xi32>
      %rev3A_228 = tpu.iota {dimensions = array<i32: 0>} : vector<16xi32>
      %rev3A_229 = arith.subi %rev3A_227, %rev3A_228 : vector<16xi32>
      %rev3A_230 = tpu.dynamic_gather %get3A_220[%rev3A_229] in [0] : vector<16xi32>, vector<16xi32> -> vector<16xi32>
      %get3A_231 = arith.constant 48 : index
      %get3A_232 = tpu.vector_load %arg13[%get3A_231] {strides = array<i32>} : memref<256xf32, #tpu.memory_space<vmem>>, vector<16xf32>,
      %get3A_233 = arith.constant 48 : index
      %get3A_234 = tpu.vector_load %arg14[%get3A_233] {strides = array<i32>} : memref<256xi32, #tpu.memory_space<vmem>>, vector<16xi32>,
      %get3A_235 = arith.constant 64 : index
      %get3A_236 = tpu.vector_load %arg13[%get3A_235] {strides = array<i32>} : memref<256xf32, #tpu.memory_space<vmem>>, vector<16xf32>,
      %get3A_237 = arith.constant 64 : index
      %get3A_238 = tpu.vector_load %arg14[%get3A_237] {strides = array<i32>} : memref<256xi32, #tpu.memory_space<vmem>>, vector<16xi32>,
      %rev3A_239 = arith.constant 15 : i32
      %rev3A_240 = vector.broadcast %rev3A_239 : i32 to vector<16xi32>
      %rev3A_241 = tpu.iota {dimensions = array<i32: 0>} : vector<16xi32>
      %rev3A_242 = arith.subi %rev3A_240, %rev3A_241 : vector<16xi32>
      %rev3A_243 = tpu.dynamic_gather %get3A_236[%rev3A_242] in [0] : vector<16xf32>, vector<16xi32> -> vector<16xf32>
      %rev3A_244 = arith.constant 15 : i32
      %rev3A_245 = vector.broadcast %rev3A_244 : i32 to vector<16xi32>
      %rev3A_246 = tpu.iota {dimensions = array<i32: 0>} : vector<16xi32>
      %rev3A_247 = arith.subi %rev3A_245, %rev3A_246 : vector<16xi32>
      %rev3A_248 = tpu.dynamic_gather %get3A_238[%rev3A_247] in [0] : vector<16xi32>, vector<16xi32> -> vector<16xi32>
      %get3A_249 = arith.constant 80 : index
      %get3A_250 = tpu.vector_load %arg13[%get3A_249] {strides = array<i32>} : memref<256xf32, #tpu.memory_space<vmem>>, vector<16xf32>,
      %get3A_251 = arith.constant 80 : index
      %get3A_252 = tpu.vector_load %arg14[%get3A_251] {strides = array<i32>} : memref<256xi32, #tpu.memory_space<vmem>>, vector<16xi32>,
      %get3A_253 = arith.constant 96 : index
      %get3A_254 = tpu.vector_load %arg13[%get3A_253] {strides = array<i32>} : memref<256xf32, #tpu.memory_space<vmem>>, vector<16xf32>,
      %get3A_255 = arith.constant 96 : index
      %get3A_256 = tpu.vector_load %arg14[%get3A_255] {strides = array<i32>} : memref<256xi32, #tpu.memory_space<vmem>>, vector<16xi32>,
      %rev3A_257 = arith.constant 15 : i32
      %rev3A_258 = vector.broadcast %rev3A_257 : i32 to vector<16xi32>
      %rev3A_259 = tpu.iota {dimensions = array<i32: 0>} : vector<16xi32>
      %rev3A_260 = arith.subi %rev3A_258, %rev3A_259 : vector<16xi32>
      %rev3A_261 = tpu.dynamic_gather %get3A_254[%rev3A_260] in [0] : vector<16xf32>, vector<16xi32> -> vector<16xf32>
      %rev3A_262 = arith.constant 15 : i32
      %rev3A_263 = vector.broadcast %rev3A_262 : i32 to vector<16xi32>
      %rev3A_264 = tpu.iota {dimensions = array<i32: 0>} : vector<16xi32>
      %rev3A_265 = arith.subi %rev3A_263, %rev3A_264 : vector<16xi32>
      %rev3A_266 = tpu.dynamic_gather %get3A_256[%rev3A_265] in [0] : vector<16xi32>, vector<16xi32> -> vector<16xi32>
      %get3A_267 = arith.constant 112 : index
      %get3A_268 = tpu.vector_load %arg13[%get3A_267] {strides = array<i32>} : memref<256xf32, #tpu.memory_space<vmem>>, vector<16xf32>,
      %get3A_269 = arith.constant 112 : index
      %get3A_270 = tpu.vector_load %arg14[%get3A_269] {strides = array<i32>} : memref<256xi32, #tpu.memory_space<vmem>>, vector<16xi32>,
      %get3A_271 = arith.constant 128 : index
      %get3A_272 = tpu.vector_load %arg13[%get3A_271] {strides = array<i32>} : memref<256xf32, #tpu.memory_space<vmem>>, vector<16xf32>,
      %get3A_273 = arith.constant 128 : index
      %get3A_274 = tpu.vector_load %arg14[%get3A_273] {strides = array<i32>} : memref<256xi32, #tpu.memory_space<vmem>>, vector<16xi32>,
      %rev3A_275 = arith.constant 15 : i32
      %rev3A_276 = vector.broadcast %rev3A_275 : i32 to vector<16xi32>
      %rev3A_277 = tpu.iota {dimensions = array<i32: 0>} : vector<16xi32>
      %rev3A_278 = arith.subi %rev3A_276, %rev3A_277 : vector<16xi32>
      %rev3A_279 = tpu.dynamic_gather %get3A_272[%rev3A_278] in [0] : vector<16xf32>, vector<16xi32> -> vector<16xf32>
      %rev3A_280 = arith.constant 15 : i32
      %rev3A_281 = vector.broadcast %rev3A_280 : i32 to vector<16xi32>
      %rev3A_282 = tpu.iota {dimensions = array<i32: 0>} : vector<16xi32>
      %rev3A_283 = arith.subi %rev3A_281, %rev3A_282 : vector<16xi32>
      %rev3A_284 = tpu.dynamic_gather %get3A_274[%rev3A_283] in [0] : vector<16xi32>, vector<16xi32> -> vector<16xi32>
      %get3A_285 = arith.constant 144 : index
      %get3A_286 = tpu.vector_load %arg13[%get3A_285] {strides = array<i32>} : memref<256xf32, #tpu.memory_space<vmem>>, vector<16xf32>,
      %get3A_287 = arith.constant 144 : index
      %get3A_288 = tpu.vector_load %arg14[%get3A_287] {strides = array<i32>} : memref<256xi32, #tpu.memory_space<vmem>>, vector<16xi32>,
      %get3A_289 = arith.constant 160 : index
      %get3A_290 = tpu.vector_load %arg13[%get3A_289] {strides = array<i32>} : memref<256xf32, #tpu.memory_space<vmem>>, vector<16xf32>,
      %get3A_291 = arith.constant 160 : index
      %get3A_292 = tpu.vector_load %arg14[%get3A_291] {strides = array<i32>} : memref<256xi32, #tpu.memory_space<vmem>>, vector<16xi32>,
      %rev3A_293 = arith.constant 15 : i32
      %rev3A_294 = vector.broadcast %rev3A_293 : i32 to vector<16xi32>
      %rev3A_295 = tpu.iota {dimensions = array<i32: 0>} : vector<16xi32>
      %rev3A_296 = arith.subi %rev3A_294, %rev3A_295 : vector<16xi32>
      %rev3A_297 = tpu.dynamic_gather %get3A_290[%rev3A_296] in [0] : vector<16xf32>, vector<16xi32> -> vector<16xf32>
      %rev3A_298 = arith.constant 15 : i32
      %rev3A_299 = vector.broadcast %rev3A_298 : i32 to vector<16xi32>
      %rev3A_300 = tpu.iota {dimensions = array<i32: 0>} : vector<16xi32>
      %rev3A_301 = arith.subi %rev3A_299, %rev3A_300 : vector<16xi32>
      %rev3A_302 = tpu.dynamic_gather %get3A_292[%rev3A_301] in [0] : vector<16xi32>, vector<16xi32> -> vector<16xi32>
      %get3A_303 = arith.constant 176 : index
      %get3A_304 = tpu.vector_load %arg13[%get3A_303] {strides = array<i32>} : memref<256xf32, #tpu.memory_space<vmem>>, vector<16xf32>,
      %get3A_305 = arith.constant 176 : index
      %get3A_306 = tpu.vector_load %arg14[%get3A_305] {strides = array<i32>} : memref<256xi32, #tpu.memory_space<vmem>>, vector<16xi32>,
      %get3A_307 = arith.constant 192 : index
      %get3A_308 = tpu.vector_load %arg13[%get3A_307] {strides = array<i32>} : memref<256xf32, #tpu.memory_space<vmem>>, vector<16xf32>,
      %get3A_309 = arith.constant 192 : index
      %get3A_310 = tpu.vector_load %arg14[%get3A_309] {strides = array<i32>} : memref<256xi32, #tpu.memory_space<vmem>>, vector<16xi32>,
      %rev3A_311 = arith.constant 15 : i32
      %rev3A_312 = vector.broadcast %rev3A_311 : i32 to vector<16xi32>
      %rev3A_313 = tpu.iota {dimensions = array<i32: 0>} : vector<16xi32>
      %rev3A_314 = arith.subi %rev3A_312, %rev3A_313 : vector<16xi32>
      %rev3A_315 = tpu.dynamic_gather %get3A_308[%rev3A_314] in [0] : vector<16xf32>, vector<16xi32> -> vector<16xf32>
      %rev3A_316 = arith.constant 15 : i32
      %rev3A_317 = vector.broadcast %rev3A_316 : i32 to vector<16xi32>
      %rev3A_318 = tpu.iota {dimensions = array<i32: 0>} : vector<16xi32>
      %rev3A_319 = arith.subi %rev3A_317, %rev3A_318 : vector<16xi32>
      %rev3A_320 = tpu.dynamic_gather %get3A_310[%rev3A_319] in [0] : vector<16xi32>, vector<16xi32> -> vector<16xi32>
      %get3A_321 = arith.constant 208 : index
      %get3A_322 = tpu.vector_load %arg13[%get3A_321] {strides = array<i32>} : memref<256xf32, #tpu.memory_space<vmem>>, vector<16xf32>,
      %get3A_323 = arith.constant 208 : index
      %get3A_324 = tpu.vector_load %arg14[%get3A_323] {strides = array<i32>} : memref<256xi32, #tpu.memory_space<vmem>>, vector<16xi32>,
      %get3A_325 = arith.constant 224 : index
      %get3A_326 = tpu.vector_load %arg13[%get3A_325] {strides = array<i32>} : memref<256xf32, #tpu.memory_space<vmem>>, vector<16xf32>,
      %get3A_327 = arith.constant 224 : index
      %get3A_328 = tpu.vector_load %arg14[%get3A_327] {strides = array<i32>} : memref<256xi32, #tpu.memory_space<vmem>>, vector<16xi32>,
      %rev3A_329 = arith.constant 15 : i32
      %rev3A_330 = vector.broadcast %rev3A_329 : i32 to vector<16xi32>
      %rev3A_331 = tpu.iota {dimensions = array<i32: 0>} : vector<16xi32>
      %rev3A_332 = arith.subi %rev3A_330, %rev3A_331 : vector<16xi32>
      %rev3A_333 = tpu.dynamic_gather %get3A_326[%rev3A_332] in [0] : vector<16xf32>, vector<16xi32> -> vector<16xf32>
      %rev3A_334 = arith.constant 15 : i32
      %rev3A_335 = vector.broadcast %rev3A_334 : i32 to vector<16xi32>
      %rev3A_336 = tpu.iota {dimensions = array<i32: 0>} : vector<16xi32>
      %rev3A_337 = arith.subi %rev3A_335, %rev3A_336 : vector<16xi32>
      %rev3A_338 = tpu.dynamic_gather %get3A_328[%rev3A_337] in [0] : vector<16xi32>, vector<16xi32> -> vector<16xi32>
      %get3A_339 = arith.constant 240 : index
      %get3A_340 = tpu.vector_load %arg13[%get3A_339] {strides = array<i32>} : memref<256xf32, #tpu.memory_space<vmem>>, vector<16xf32>,
      %get3A_341 = arith.constant 240 : index
      %get3A_342 = tpu.vector_load %arg14[%get3A_341] {strides = array<i32>} : memref<256xi32, #tpu.memory_space<vmem>>, vector<16xi32>,
      %gt3A_343 = arith.cmpf ogt, %get3A_214, %rev3A_207 : vector<16xf32>
      %select_n3A_344 = arith.select %gt3A_343, %get3A_214, %rev3A_207 : vector<16xi1>, vector<16xf32>
      %select_n3A_345 = arith.select %gt3A_343, %get3A_216, %rev3A_212 : vector<16xi1>, vector<16xi32>
      %masked_sort3A_346 = arith.constant dense<true> : vector<16xi1>
      %masked_sort3A_347, %masked_sort3A_348, %masked_sort3A_349 = tpu.sort %select_n3A_344, %select_n3A_345 masked %masked_sort3A_346 : (vector<16xf32>, vector<16xi32>, vector<16xi1>) -> (vector<16xi1>, vector<16xf32>, vector<16xi32>)
      %gt3A_350 = arith.cmpf ogt, %get3A_232, %rev3A_225 : vector<16xf32>
      %select_n3A_351 = arith.select %gt3A_350, %get3A_232, %rev3A_225 : vector<16xi1>, vector<16xf32>
      %select_n3A_352 = arith.select %gt3A_350, %get3A_234, %rev3A_230 : vector<16xi1>, vector<16xi32>
      %masked_sort3A_353 = arith.constant dense<true> : vector<16xi1>
      %masked_sort3A_354, %masked_sort3A_355, %masked_sort3A_356 = tpu.sort %select_n3A_351, %select_n3A_352 masked %masked_sort3A_353 {descending = true} : (vector<16xf32>, vector<16xi32>, vector<16xi1>) -> (vector<16xi1>, vector<16xf32>, vector<16xi32>)
      %gt3A_357 = arith.cmpf ogt, %get3A_250, %rev3A_243 : vector<16xf32>
      %select_n3A_358 = arith.select %gt3A_357, %get3A_250, %rev3A_243 : vector<16xi1>, vector<16xf32>
      %select_n3A_359 = arith.select %gt3A_357, %get3A_252, %rev3A_248 : vector<16xi1>, vector<16xi32>
      %masked_sort3A_360 = arith.constant dense<true> : vector<16xi1>
      %masked_sort3A_361, %masked_sort3A_362, %masked_sort3A_363 = tpu.sort %select_n3A_358, %select_n3A_359 masked %masked_sort3A_360 : (vector<16xf32>, vector<16xi32>, vector<16xi1>) -> (vector<16xi1>, vector<16xf32>, vector<16xi32>)
      %gt3A_364 = arith.cmpf ogt, %get3A_268, %rev3A_261 : vector<16xf32>
      %select_n3A_365 = arith.select %gt3A_364, %get3A_268, %rev3A_261 : vector<16xi1>, vector<16xf32>
      %select_n3A_366 = arith.select %gt3A_364, %get3A_270, %rev3A_266 : vector<16xi1>, vector<16xi32>
      %masked_sort3A_367 = arith.constant dense<true> : vector<16xi1>
      %masked_sort3A_368, %masked_sort3A_369, %masked_sort3A_370 = tpu.sort %select_n3A_365, %select_n3A_366 masked %masked_sort3A_367 {descending = true} : (vector<16xf32>, vector<16xi32>, vector<16xi1>) -> (vector<16xi1>, vector<16xf32>, vector<16xi32>)
      %gt3A_371 = arith.cmpf ogt, %get3A_286, %rev3A_279 : vector<16xf32>
      %select_n3A_372 = arith.select %gt3A_371, %get3A_286, %rev3A_279 : vector<16xi1>, vector<16xf32>
      %select_n3A_373 = arith.select %gt3A_371, %get3A_288, %rev3A_284 : vector<16xi1>, vector<16xi32>
      %masked_sort3A_374 = arith.constant dense<true> : vector<16xi1>
      %masked_sort3A_375, %masked_sort3A_376, %masked_sort3A_377 = tpu.sort %select_n3A_372, %select_n3A_373 masked %masked_sort3A_374 : (vector<16xf32>, vector<16xi32>, vector<16xi1>) -> (vector<16xi1>, vector<16xf32>, vector<16xi32>)
      %gt3A_378 = arith.cmpf ogt, %get3A_304, %rev3A_297 : vector<16xf32>
      %select_n3A_379 = arith.select %gt3A_378, %get3A_304, %rev3A_297 : vector<16xi1>, vector<16xf32>
      %select_n3A_380 = arith.select %gt3A_378, %get3A_306, %rev3A_302 : vector<16xi1>, vector<16xi32>
      %masked_sort3A_381 = arith.constant dense<true> : vector<16xi1>
      %masked_sort3A_382, %masked_sort3A_383, %masked_sort3A_384 = tpu.sort %select_n3A_379, %select_n3A_380 masked %masked_sort3A_381 {descending = true} : (vector<16xf32>, vector<16xi32>, vector<16xi1>) -> (vector<16xi1>, vector<16xf32>, vector<16xi32>)
      %gt3A_385 = arith.cmpf ogt, %get3A_322, %rev3A_315 : vector<16xf32>
      %select_n3A_386 = arith.select %gt3A_385, %get3A_322, %rev3A_315 : vector<16xi1>, vector<16xf32>
      %select_n3A_387 = arith.select %gt3A_385, %get3A_324, %rev3A_320 : vector<16xi1>, vector<16xi32>
      %masked_sort3A_388 = arith.constant dense<true> : vector<16xi1>
      %masked_sort3A_389, %masked_sort3A_390, %masked_sort3A_391 = tpu.sort %select_n3A_386, %select_n3A_387 masked %masked_sort3A_388 : (vector<16xf32>, vector<16xi32>, vector<16xi1>) -> (vector<16xi1>, vector<16xf32>, vector<16xi32>)
      %gt3A_392 = arith.cmpf ogt, %get3A_340, %rev3A_333 : vector<16xf32>
      %select_n3A_393 = arith.select %gt3A_392, %get3A_340, %rev3A_333 : vector<16xi1>, vector<16xf32>
      %select_n3A_394 = arith.select %gt3A_392, %get3A_342, %rev3A_338 : vector<16xi1>, vector<16xi32>
      %masked_sort3A_395 = arith.constant dense<true> : vector<16xi1>
      %masked_sort3A_396, %masked_sort3A_397, %masked_sort3A_398 = tpu.sort %select_n3A_393, %select_n3A_394 masked %masked_sort3A_395 {descending = true} : (vector<16xf32>, vector<16xi32>, vector<16xi1>) -> (vector<16xi1>, vector<16xf32>, vector<16xi32>)
      %gt3A_399 = arith.cmpf ogt, %masked_sort3A_355, %masked_sort3A_348 : vector<16xf32>
      %select_n3A_400 = arith.select %gt3A_399, %masked_sort3A_355, %masked_sort3A_348 : vector<16xi1>, vector<16xf32>
      %select_n3A_401 = arith.select %gt3A_399, %masked_sort3A_356, %masked_sort3A_349 : vector<16xi1>, vector<16xi32>
      %masked_sort3A_402 = arith.constant dense<true> : vector<16xi1>
      %masked_sort3A_403, %masked_sort3A_404, %masked_sort3A_405 = tpu.sort %select_n3A_400, %select_n3A_401 masked %masked_sort3A_402 : (vector<16xf32>, vector<16xi32>, vector<16xi1>) -> (vector<16xi1>, vector<16xf32>, vector<16xi32>)
      %gt3A_406 = arith.cmpf ogt, %masked_sort3A_369, %masked_sort3A_362 : vector<16xf32>
      %select_n3A_407 = arith.select %gt3A_406, %masked_sort3A_369, %masked_sort3A_362 : vector<16xi1>, vector<16xf32>
      %select_n3A_408 = arith.select %gt3A_406, %masked_sort3A_370, %masked_sort3A_363 : vector<16xi1>, vector<16xi32>
      %masked_sort3A_409 = arith.constant dense<true> : vector<16xi1>
      %masked_sort3A_410, %masked_sort3A_411, %masked_sort3A_412 = tpu.sort %select_n3A_407, %select_n3A_408 masked %masked_sort3A_409 {descending = true} : (vector<16xf32>, vector<16xi32>, vector<16xi1>) -> (vector<16xi1>, vector<16xf32>, vector<16xi32>)
      %gt3A_413 = arith.cmpf ogt, %masked_sort3A_383, %masked_sort3A_376 : vector<16xf32>
      %select_n3A_414 = arith.select %gt3A_413, %masked_sort3A_383, %masked_sort3A_376 : vector<16xi1>, vector<16xf32>
      %select_n3A_415 = arith.select %gt3A_413, %masked_sort3A_384, %masked_sort3A_377 : vector<16xi1>, vector<16xi32>
      %masked_sort3A_416 = arith.constant dense<true> : vector<16xi1>
      %masked_sort3A_417, %masked_sort3A_418, %masked_sort3A_419 = tpu.sort %select_n3A_414, %select_n3A_415 masked %masked_sort3A_416 : (vector<16xf32>, vector<16xi32>, vector<16xi1>) -> (vector<16xi1>, vector<16xf32>, vector<16xi32>)
      %gt3A_420 = arith.cmpf ogt, %masked_sort3A_397, %masked_sort3A_390 : vector<16xf32>
      %select_n3A_421 = arith.select %gt3A_420, %masked_sort3A_397, %masked_sort3A_390 : vector<16xi1>, vector<16xf32>
      %select_n3A_422 = arith.select %gt3A_420, %masked_sort3A_398, %masked_sort3A_391 : vector<16xi1>, vector<16xi32>
      %masked_sort3A_423 = arith.constant dense<true> : vector<16xi1>
      %masked_sort3A_424, %masked_sort3A_425, %masked_sort3A_426 = tpu.sort %select_n3A_421, %select_n3A_422 masked %masked_sort3A_423 {descending = true} : (vector<16xf32>, vector<16xi32>, vector<16xi1>) -> (vector<16xi1>, vector<16xf32>, vector<16xi32>)
      %gt3A_427 = arith.cmpf ogt, %masked_sort3A_411, %masked_sort3A_404 : vector<16xf32>
      %select_n3A_428 = arith.select %gt3A_427, %masked_sort3A_411, %masked_sort3A_404 : vector<16xi1>, vector<16xf32>
      %select_n3A_429 = arith.select %gt3A_427, %masked_sort3A_412, %masked_sort3A_405 : vector<16xi1>, vector<16xi32>
      %masked_sort3A_430 = arith.constant dense<true> : vector<16xi1>
      %masked_sort3A_431, %masked_sort3A_432, %masked_sort3A_433 = tpu.sort %select_n3A_428, %select_n3A_429 masked %masked_sort3A_430 : (vector<16xf32>, vector<16xi32>, vector<16xi1>) -> (vector<16xi1>, vector<16xf32>, vector<16xi32>)
      %gt3A_434 = arith.cmpf ogt, %masked_sort3A_425, %masked_sort3A_418 : vector<16xf32>
      %select_n3A_435 = arith.select %gt3A_434, %masked_sort3A_425, %masked_sort3A_418 : vector<16xi1>, vector<16xf32>
      %select_n3A_436 = arith.select %gt3A_434, %masked_sort3A_426, %masked_sort3A_419 : vector<16xi1>, vector<16xi32>
      %masked_sort3A_437 = arith.constant dense<true> : vector<16xi1>
      %masked_sort3A_438, %masked_sort3A_439, %masked_sort3A_440 = tpu.sort %select_n3A_435, %select_n3A_436 masked %masked_sort3A_437 {descending = true} : (vector<16xf32>, vector<16xi32>, vector<16xi1>) -> (vector<16xi1>, vector<16xf32>, vector<16xi32>)
      %gt3A_441 = arith.cmpf ogt, %masked_sort3A_439, %masked_sort3A_432 : vector<16xf32>
      %select_n3A_442 = arith.select %gt3A_441, %masked_sort3A_439, %masked_sort3A_432 : vector<16xi1>, vector<16xf32>
      %select_n3A_443 = arith.select %gt3A_441, %masked_sort3A_440, %masked_sort3A_433 : vector<16xi1>, vector<16xi32>
      %masked_sort3A_444 = arith.constant dense<true> : vector<16xi1>
      %masked_sort3A_445, %masked_sort3A_446, %masked_sort3A_447 = tpu.sort %select_n3A_442, %select_n3A_443 masked %masked_sort3A_444 : (vector<16xf32>, vector<16xi32>, vector<16xi1>) -> (vector<16xi1>, vector<16xf32>, vector<16xi32>)
      %rev3A_448 = arith.constant 15 : i32
      %rev3A_449 = vector.broadcast %rev3A_448 : i32 to vector<16xi32>
      %rev3A_450 = tpu.iota {dimensions = array<i32: 0>} : vector<16xi32>
      %rev3A_451 = arith.subi %rev3A_449, %rev3A_450 : vector<16xi32>
      %rev3A_452 = tpu.dynamic_gather %masked_sort3A_447[%rev3A_451] in [0] : vector<16xi32>, vector<16xi32> -> vector<16xi32>
      %swap3A_453 = arith.constant 0 : index
      %swap3A_454 = tpu.vector_load %arg15[%swap3A_453] {strides = array<i32>} : memref<16xi32, #tpu.memory_space<vmem>>, vector<16xi32>,
      tpu.vector_store %arg15[%swap3A_453], %rev3A_452 {strides = array<i32>} : memref<16xi32, #tpu.memory_space<vmem>>, vector<16xi32>,
      %dma_start3A = arith.constant 0 : i32
      %dma_start3A_455 = tpu.memref_slice %arg15[%dma_start3A] : memref<16xi32, #tpu.memory_space<vmem>> -> memref<8xi32, #tpu.memory_space<vmem>>
      %dma_start3A_456 = arith.constant 0 : i32
      %dma_start3A_457 = arith.constant 0 : i32
      %dma_start3A_458 = tpu.memref_slice %arg3[%dma_start3A_456, %dma_start3A_457] : memref<100000x512xf32, #tpu.memory_space<hbm>> -> memref<100000x512xf32, #tpu.memory_space<hbm>>
      tpu.enqueue_indirect_dma source(%dma_start3A_458 : memref<100000x512xf32, #tpu.memory_space<hbm>>) target(%arg16 : memref<8x512xf32, #tpu.memory_space<vmem>>) offsets(%dma_start3A_455 : memref<8xi32, #tpu.memory_space<vmem>>) semaphore(%arg20 : memref<!tpu.dma_semaphore, #tpu.memory_space<semaphore_mem>>)
      %dma_wait3A = arith.constant 0 : i32
      %dma_wait3A_459 = tpu.memref_slice %arg15[%dma_wait3A] : memref<16xi32, #tpu.memory_space<vmem>> -> memref<8xi32, #tpu.memory_space<vmem>>
      %dma_wait3A_460 = arith.constant 0 : i32
      %dma_wait3A_461 = arith.constant 0 : i32
      %dma_wait3A_462 = tpu.memref_slice %arg3[%dma_wait3A_460, %dma_wait3A_461] : memref<100000x512xf32, #tpu.memory_space<hbm>> -> memref<100000x512xf32, #tpu.memory_space<hbm>>
      tpu.wait_indirect_dma semaphore(%arg20 : memref<!tpu.dma_semaphore, #tpu.memory_space<semaphore_mem>>) src(%dma_wait3A_462 : memref<100000x512xf32, #tpu.memory_space<hbm>>) dst(%arg16 : memref<8x512xf32, #tpu.memory_space<vmem>>)
      %get3A_463 = arith.constant 0 : index
      %get3A_464 = tpu.vector_load %arg8[%get3A_463] {strides = array<i32>} : memref<16xf32, #tpu.memory_space<vmem>>, vector<16xf32>,
      %broadcast_in_dim3A_465 = arith.constant 0.000000e+00 : f32
      %broadcast_in_dim3A_466 = vector.broadcast %broadcast_in_dim3A_465 : f32 to vector<16xf32>
      %scan3A_467 = arith.constant 0 : i32
      %scan3A_468 = arith.constant 8 : i32
      %scan3A_469 = arith.addi %scan3A_467, %scan3A_468 : i32
      %scan3A_470 = arith.constant 1 : i32
      %scan3A_471 = scf.for %scan3A_488 = %scan3A_467 to %scan3A_469 step %scan3A_470 iter_args(%scan3A_489 = %broadcast_in_dim3A_466) -> (vector<16xf32>)  : i32 {
        %broadcast_in_dim3A_490 = arith.constant 0.000000e+00 : f32
        %broadcast_in_dim3A_491 = vector.broadcast %broadcast_in_dim3A_490 : f32 to vector<16xf32>
        %scan3A_492 = arith.constant 0 : i32
        %scan3A_493 = arith.constant 32 : i32
        %scan3A_494 = arith.addi %scan3A_492, %scan3A_493 : i32
        %scan3A_495 = arith.constant 1 : i32
        %scan3A_496:2 = scf.for %scan3A_523 = %scan3A_492 to %scan3A_494 step %scan3A_495 iter_args(%scan3A_524 = %broadcast_in_dim3A_491, %scan3A_525 = %broadcast_in_dim3A_491) -> (vector<16xf32>, vector<16xf32>)  : i32 {
          %mul3A_526 = arith.constant 16 : i32
          %mul3A_527 = arith.muli %scan3A_523, %mul3A_526 : i32
          %get3A_528 = arith.index_cast %scan3A_488 : i32 to index
          %get3A_529 = arith.index_cast %mul3A_527 : i32 to index
          %get3A_530 = tpu.vector_load %arg16[%get3A_528, %get3A_529] {strides = array<i32>} : memref<8x512xf32, #tpu.memory_space<vmem>>, vector<16xf32>,
          %mul3A_531 = arith.constant 16 : i32
          %mul3A_532 = arith.muli %scan3A_523, %mul3A_531 : i32
          %get3A_533 = arith.index_cast %mul3A_532 : i32 to index
          %get3A_534 = tpu.vector_load %arg7[%get3A_533] {strides = array<i32>} : memref<1024xf32, #tpu.memory_space<vmem>>, vector<16xf32>,
          %mul3A_535 = arith.mulf %get3A_530, %get3A_534 : vector<16xf32>
          %add3A_536 = arith.addf %scan3A_524, %mul3A_535 : vector<16xf32>
          %mul3A_537 = arith.constant 16 : i32
          %mul3A_538 = arith.muli %scan3A_523, %mul3A_537 : i32
          %add3A_539 = arith.constant 512 : i32
          %add3A_540 = arith.addi %add3A_539, %mul3A_538 : i32
          %get3A_541 = arith.index_cast %add3A_540 : i32 to index
          %get3A_542 = tpu.vector_load %arg7[%get3A_541] {strides = array<i32>} : memref<1024xf32, #tpu.memory_space<vmem>>, vector<16xf32>,
          %mul3A_543 = arith.mulf %get3A_530, %get3A_542 : vector<16xf32>
          %add3A_544 = arith.addf %scan3A_525, %mul3A_543 : vector<16xf32>
          scf.yield %add3A_536, %add3A_544 : vector<16xf32>, vector<16xf32>
        }
        %scan3A_497 = arith.constant 32 : i32
        %reduce_sum3A = arith.constant true
        %reduce_sum3A_498 = vector.broadcast %reduce_sum3A : i1 to vector<16xi1>
        %reduce_sum3A_499 = tpu.scan <sum>, %scan3A_496#0 masked %reduce_sum3A_498 : vector<16xf32>, vector<16xi1> -> vector<16xf32>
        %reduce_sum3A_500 = vector.extract %reduce_sum3A_499[15] : f32 from vector<16xf32>
        %slice3A = vector.extract_strided_slice %get3A_464 {offsets = [0], sizes = [1], strides = [1]} : vector<16xf32> to vector<1xf32>
        %squeeze3A = vector.extract %slice3A[0] : f32 from vector<1xf32>
        %add3A_501 = arith.addf %reduce_sum3A_500, %squeeze3A : f32
        %reduce_sum3A_502 = arith.constant true
        %reduce_sum3A_503 = vector.broadcast %reduce_sum3A_502 : i1 to vector<16xi1>
        %reduce_sum3A_504 = tpu.scan <sum>, %scan3A_496#1 masked %reduce_sum3A_503 : vector<16xf32>, vector<16xi1> -> vector<16xf32>
        %reduce_sum3A_505 = vector.extract %reduce_sum3A_504[15] : f32 from vector<16xf32>
        %slice3A_506 = vector.extract_strided_slice %get3A_464 {offsets = [1], sizes = [1], strides = [1]} : vector<16xf32> to vector<1xf32>
        %squeeze3A_507 = vector.extract %slice3A_506[0] : f32 from vector<1xf32>
        %add3A_508 = arith.addf %reduce_sum3A_505, %squeeze3A_507 : f32
        %mul3A_509 = arith.constant 2 : i32
        %mul3A_510 = arith.muli %mul3A_509, %scan3A_488 : i32
        %eq3A_511 = vector.broadcast %mul3A_510 : i32 to vector<16xi32>
        %eq3A_512 = arith.cmpi eq, %iota3A, %eq3A_511 : vector<16xi32>
        %broadcast_in_dim3A_513 = vector.broadcast %add3A_501 : f32 to vector<16xf32>
        %select_n3A_514 = arith.select %eq3A_512, %broadcast_in_dim3A_513, %scan3A_489 : vector<16xi1>, vector<16xf32>
        %mul3A_515 = arith.constant 2 : i32
        %mul3A_516 = arith.muli %mul3A_515, %scan3A_488 : i32
        %add3A_517 = arith.constant 1 : i32
        %add3A_518 = arith.addi %mul3A_516, %add3A_517 : i32
        %eq3A_519 = vector.broadcast %add3A_518 : i32 to vector<16xi32>
        %eq3A_520 = arith.cmpi eq, %iota3A, %eq3A_519 : vector<16xi32>
        %broadcast_in_dim3A_521 = vector.broadcast %add3A_508 : f32 to vector<16xf32>
        %select_n3A_522 = arith.select %eq3A_520, %broadcast_in_dim3A_521, %select_n3A_514 : vector<16xi1>, vector<16xf32>
        scf.yield %select_n3A_522 : vector<16xf32>
      }
      %scan3A_472 = arith.constant 8 : i32
      %swap3A_473 = arith.constant 0 : index
      %swap3A_474 = tpu.vector_load %arg17[%swap3A_473] {strides = array<i32>} : memref<16xf32, #tpu.memory_space<vmem>>, vector<16xf32>,
      tpu.vector_store %arg17[%swap3A_473], %scan3A_471 {strides = array<i32>} : memref<16xf32, #tpu.memory_space<vmem>>, vector<16xf32>,
      %xor3A = arith.constant 1 : i32
      %xor3A_475 = vector.broadcast %xor3A : i32 to vector<16xi32>
      %xor3A_476 = arith.xori %iota3A, %xor3A_475 : vector<16xi32>
      %gather3A = tpu.vector_load_idx %arg17[%xor3A_476] : memref<16xf32, #tpu.memory_space<vmem>>[vector<16xi32>], vector<16xf32>,
      %max3A = arith.maximumf %scan3A_471, %gather3A : vector<16xf32>
      %sub3A_477 = arith.subf %scan3A_471, %max3A : vector<16xf32>
      %exp3A = math.exp %sub3A_477 : vector<16xf32>
      %swap3A_478 = arith.constant 0 : index
      %swap3A_479 = tpu.vector_load %arg18[%swap3A_478] {strides = array<i32>} : memref<16xf32, #tpu.memory_space<vmem>>, vector<16xf32>,
      tpu.vector_store %arg18[%swap3A_478], %exp3A {strides = array<i32>} : memref<16xf32, #tpu.memory_space<vmem>>, vector<16xf32>,
      %gather3A_480 = tpu.vector_load_idx %arg18[%xor3A_476] : memref<16xf32, #tpu.memory_space<vmem>>[vector<16xi32>], vector<16xf32>,
      %add3A_481 = arith.addf %exp3A, %gather3A_480 : vector<16xf32>
      %div3A = arith.divf %exp3A, %add3A_481 : vector<16xf32>
      %swap3A_482 = arith.constant 0 : index
      %swap3A_483 = tpu.vector_load %arg19[%swap3A_482] {strides = array<i32>} : memref<16xf32, #tpu.memory_space<vmem>>, vector<16xf32>,
      tpu.vector_store %arg19[%swap3A_482], %div3A {strides = array<i32>} : memref<16xf32, #tpu.memory_space<vmem>>, vector<16xf32>,
      %mul3A_484 = arith.constant 16 : i32
      %mul3A_485 = arith.muli %arg0, %mul3A_484 : i32
      %multiple_of3A = tpu.assume_multiple %mul3A_485, 16 : i32
      "tpu.region"() ({
        %run_scoped3A = tpu.sem_alloc : memref<!tpu.dma_semaphore, #tpu.memory_space<semaphore_mem>>
        %dma_start3A_488 = tpu.memref_slice %arg5[%multiple_of3A] : memref<64xf32, #tpu.memory_space<hbm>> -> memref<16xf32, #tpu.memory_space<hbm>>
        %dma_start3A_489 = tpu.memref_slice %arg5[%multiple_of3A] : memref<64xf32, #tpu.memory_space<hbm>> -> memref<16xf32, #tpu.memory_space<hbm>>
        tpu.enqueue_dma source(%arg17 : memref<16xf32, #tpu.memory_space<vmem>>) target(%dma_start3A_489 : memref<16xf32, #tpu.memory_space<hbm>>) target_semaphore(%run_scoped3A : memref<!tpu.dma_semaphore, #tpu.memory_space<semaphore_mem>>)
        %dma_wait3A_490 = tpu.memref_slice %arg5[%multiple_of3A] : memref<64xf32, #tpu.memory_space<hbm>> -> memref<16xf32, #tpu.memory_space<hbm>>
        %dma_wait3A_491 = tpu.memref_slice %arg5[%multiple_of3A] : memref<64xf32, #tpu.memory_space<hbm>> -> memref<16xf32, #tpu.memory_space<hbm>>
        tpu.wait_dma2 semaphore(%run_scoped3A : memref<!tpu.dma_semaphore, #tpu.memory_space<semaphore_mem>>) src(%arg17 : memref<16xf32, #tpu.memory_space<vmem>>) dst(%dma_wait3A_491 : memref<16xf32, #tpu.memory_space<hbm>>)
        tpu.yield
      }) : () -> ()
      %add3A_486 = arith.constant 32 : i32
      %add3A_487 = arith.addi %add3A_486, %multiple_of3A : i32
      "tpu.region"() ({
        %run_scoped3A = tpu.sem_alloc : memref<!tpu.dma_semaphore, #tpu.memory_space<semaphore_mem>>
        %dma_start3A_488 = tpu.memref_slice %arg5[%add3A_487] : memref<64xf32, #tpu.memory_space<hbm>> -> memref<16xf32, #tpu.memory_space<hbm>>
        %dma_start3A_489 = tpu.memref_slice %arg5[%add3A_487] : memref<64xf32, #tpu.memory_space<hbm>> -> memref<16xf32, #tpu.memory_space<hbm>>
        tpu.enqueue_dma source(%arg19 : memref<16xf32, #tpu.memory_space<vmem>>) target(%dma_start3A_489 : memref<16xf32, #tpu.memory_space<hbm>>) target_semaphore(%run_scoped3A : memref<!tpu.dma_semaphore, #tpu.memory_space<semaphore_mem>>)
        %dma_wait3A_490 = tpu.memref_slice %arg5[%add3A_487] : memref<64xf32, #tpu.memory_space<hbm>> -> memref<16xf32, #tpu.memory_space<hbm>>
        %dma_wait3A_491 = tpu.memref_slice %arg5[%add3A_487] : memref<64xf32, #tpu.memory_space<hbm>> -> memref<16xf32, #tpu.memory_space<hbm>>
        tpu.wait_dma2 semaphore(%run_scoped3A : memref<!tpu.dma_semaphore, #tpu.memory_space<semaphore_mem>>) src(%arg19 : memref<16xf32, #tpu.memory_space<vmem>>) dst(%dma_wait3A_491 : memref<16xf32, #tpu.memory_space<hbm>>)
        tpu.yield
      }) : () -> ()
    } else {
    }
    return
  }
}

</mosaic_0001>

<sc_bundles>
// kernel: _sc_call.3.cloned.1.call-start
scs
__scs_entry_jumppad:
0x0: {  	(pc) =	sbr.rel $0x88, $3  }
0x1: {  	(tag) =	ssettag $0x0;
	lr =	simm.s32 $0x1  }
0x2: {  	[smem:$0x3F9E] =	sst lr;
	_ =	strace $0xD0000000  }
0x3: {  	_ = 	snop  }
0x4: {  	_ = 	snop  }
0x5: {  	_ = 	snop  }
0x6: {  	_ = 	snop  }
0x7: {  	_ = 	snop  }
__scs_overlays_trampoline_lowered:
0x8: {  	[smem:$0x3FAD] =	sst s0  }
0x9: {  	[smem:$0x3FAE] =	sst s1  }
0xa: {  	[smem:$0x3FAF] =	sst s2  }
0xb: {  	[smem:$0x3FB0] =	sst s3  }
0xc: {  	[smem:$0x3FB1] =	sst s4  }
0xd: {  	[smem:$0x3FB2] =	sst s5  }
0xe: {  	[smem:$0x3FB3] =	sst s6  }
0xf: {  	[smem:$0x3FB4] =	sst s7  }
0x10: {  	[smem:$0x3FB5] =	sst s8  }
0x11: {  	[smem:$0x3FB6] =	sst s9;
	s0 =	simm.s32 @!p0 $0x0  }
0x12: {  	s1 =	sld [smem:$0x3F9C];
	s0 =	simm.s32 @p0 $0x1  }
0x13: {  	[smem:$0x3FB7] =	sst s0;
	s0 =	simm.s32 @!p1 $0x0  }
0x14: {  	s2 =	sld [smem:$0x3F9B];
	s0 =	simm.s32 @p1 $0x1  }
0x15: {  	[smem:$0x3FB8] =	sst s0;
	s0 =	simm.s32 @!p2 $0x0  }
0x16: {  	s3 =	sld [smem:$0x3FDB];
	s0 =	simm.s32 @p2 $0x1  }
0x17: {  	s4 =	simm.s32 $0x1BF5;
	[smem:$0x3FBA] =	sst s0  }
0x18: {  	s0 =	sld [smem:$0x3F9D];
	_ =	swait.ge [sflag:s4], $0x0  }
0x19: {  	s7 =	sld [smem:$0x3F9E]  }
0x1a: {  	s8 =	sadd.s32 $0xFFFFE003, lr  }
0x1b: {  	s9 =	sadd.s32 $0xFFFFFEF7, lr;
	s5 =	simm.s32 $0xFFFFFFFF;
	p2 =	slt.u32 s8, $0xFFFFF086  }
0x1c: {  	p1 =	slt.u32 s9, $0xF7A;
	s5 =	simm.s32 @!p2 $0x0  }
0x1d: {  	s5 =	simm.s32 @p1 $0x1;
	p0 =	seq.s32 s7, s2  }
0x1e: {  	s7 =	smul.u32 @!p0 $0xF7A, s2;
	p2 =	seq.s32 @!p0 s5, $0x0  }
0x1f: {  	s9 =	smul.u32 $0xF7A, s1;
	s8 =	simm.s32 @!p0 $0x1BF5;
	p2 =	por !p2, p0  }
0x20: {  	[sflag:s8] =	ssyncset.s32 @!p0 $0xFFFFF086;
	s6 =	sadd.s32 @!p0 s3, s7;
	s7 =	simm.s32 @!p0 $0x108  }
0x21: {  	s3 =	sadd.s32 s3, s9;
	s6 =	sadd.s32 @!p0 $0x88, s6;
	s7 =	simm.s32 @p2 $0x1082  }
0x22: {  	[simem:s7], [sflag:s8] =	dma.local @!p0 [hbm:s6], $0xF7A  }
0x23: {  	s9 =	sor.u32 $0xD0000000, s2;
	s6 =	simm.s32 $0x108;
	_ =	swait.ge @!p0 [sflag:s8], $0x0  }
0x24: {  	s3 =	sadd.s32 $0x88, s3;
	s6 =	simm.s32 @!p1 $0x1082;
	[sflag:s4] =	ssyncset.s32 $0xFFFFF086  }
0x25: {  	[simem:s6], [sflag:s4] =	dma.local [hbm:s3], $0xF7A  }
0x26: {  	[smem:$0x3F9E] =	sst s1;
	(tag) =	ssettag s2;
	_ =	strace s9  }
0x27: {  	s1 =	sld [smem:$0x3FAE]  }
0x28: {  	s2 =	sld [smem:$0x3FAF]  }
0x29: {  	s4 =	sld [smem:$0x3FB1]  }
0x2a: {  	p0 =	seq.s32 s5, $0x0;
	s5 =	sld [smem:$0x3FB2]  }
0x2b: {  	s6 =	sld [smem:$0x3FB3]  }
0x2c: {  	s7 =	sld [smem:$0x3FB4]  }
0x2d: {  	s3 =	simm.s32 $0x108;
	s8 =	sld [smem:$0x3FB5]  }
0x2e: {  	s3 =	simm.s32 @!p0 $0x1082;
	s9 =	sld [smem:$0x3FB6]  }
0x2f: {  	lr =	sadd.s32 s0, s3;
	s0 =	sld [smem:$0x3FAD]  }
0x30: {  	s3 =	sld [smem:$0x3FB0]  }
0x31: {  	[smem:$0x3FB9] =	sst s10  }
0x32: {  	s10 =	sld [smem:$0x3FB7];
	_ =	sdelay $0x3  }
0x33: {  	p0 =	seq.s32 s10, $0x1;
	s10 =	sld [smem:$0x3FB9];
	_ =	sdelay $0x3  }
0x34: {  	[smem:$0x3FB9] =	sst s10  }
0x35: {  	s10 =	sld [smem:$0x3FB8];
	_ =	sdelay $0x3  }
0x36: {  	p1 =	seq.s32 s10, $0x1;
	s10 =	sld [smem:$0x3FB9];
	_ =	sdelay $0x3  }
0x37: {  	[smem:$0x3FB9] =	sst s10  }
0x38: {  	s10 =	sld [smem:$0x3FBA]  }
0x39: {  	_ = 	snop;
	(pc) =	sbr.ind lr, $3  }
0x3a: {  	_ = 	snop  }
0x3b: {  	_ = 	snop  }
0x3c: {  	p2 =	seq.s32 s10, $0x1;
	s10 =	sld [smem:$0x3FB9]  }
0x3d: {  	_ =	shalt  }
0x3e: {  	_ =	shalt  }
0x3f: {  	_ =	shalt  }
0x40: {  	_ =	shalt  }
0x41: {  	_ =	shalt  }
0x42: {  	_ =	shalt  }
0x43: {  	_ =	shalt  }
0x44: {  	_ =	shalt  }
0x45: {  	_ =	shalt  }
0x46: {  	_ =	shalt  }
0x47: {  	_ =	shalt  }
0x48: {  	_ =	shalt  }
0x49: {  	_ =	shalt  }
0x4a: {  	_ =	shalt  }
0x4b: {  	_ =	shalt  }
0x4c: {  	_ =	shalt  }
0x4d: {  	_ =	shalt  }
0x4e: {  	_ =	shalt  }
0x4f: {  	_ =	shalt  }
0x50: {  	_ =	shalt  }
0x51: {  	_ =	shalt  }
0x52: {  	_ =	shalt  }
0x53: {  	_ =	shalt  }
0x54: {  	_ =	shalt  }
0x55: {  	_ =	shalt  }
0x56: {  	_ =	shalt  }
0x57: {  	_ =	shalt  }
0x58: {  	_ =	shalt  }
0x59: {  	_ =	shalt  }
0x5a: {  	_ =	shalt  }
0x5b: {  	_ =	shalt  }
0x5c: {  	_ =	shalt  }
0x5d: {  	_ =	shalt  }
0x5e: {  	_ =	shalt  }
0x5f: {  	_ =	shalt  }
0x60: {  	_ =	shalt  }
0x61: {  	_ =	shalt  }
0x62: {  	_ =	shalt  }
0x63: {  	_ =	shalt  }
0x64: {  	_ =	shalt  }
0x65: {  	_ =	shalt  }
0x66: {  	_ =	shalt  }
0x67: {  	_ =	shalt  }
0x68: {  	_ =	shalt  }
0x69: {  	_ =	shalt  }
0x6a: {  	_ =	shalt  }
0x6b: {  	_ =	shalt  }
0x6c: {  	_ =	shalt  }
0x6d: {  	_ =	shalt  }
0x6e: {  	_ =	shalt  }
0x6f: {  	_ =	shalt  }
0x70: {  	_ =	shalt  }
0x71: {  	_ =	shalt  }
0x72: {  	_ =	shalt  }
0x73: {  	_ =	shalt  }
0x74: {  	_ =	shalt  }
0x75: {  	_ =	shalt  }
0x76: {  	_ =	shalt  }
0x77: {  	_ =	shalt  }
0x78: {  	_ =	shalt  }
0x79: {  	_ =	shalt  }
0x7a: {  	_ =	shalt  }
0x7b: {  	_ =	shalt  }
0x7c: {  	_ =	shalt  }
0x7d: {  	_ =	shalt  }
0x7e: {  	_ =	shalt  }
0x7f: {  	_ =	shalt  }
0x80: {  	_ =	shalt  }
0x81: {  	_ =	shalt  }
0x82: {  	_ =	shalt  }
0x83: {  	_ =	shalt  }
0x84: {  	_ =	shalt  }
0x85: {  	_ =	shalt  }
0x86: {  	_ =	shalt  }
0x87: {  	_ =	shalt  }
.Lfunc_end0:
.L_simem_size_0:
called_computation_lowered:
.L_overlay_start_0:
0x88: {  	s2 =	sld [smem:$0x3FD9]  }
0x89: {  	s3 =	sld [smem:$0x3FFE];
	_ =	sdelay $0x1  }
0x8a: {  	s1 =	srdreg.scid  }
0x8b: {  	s0 =	sand.u32 $0x1, s1  }
0x8c: {  	s18 =	sshll.u32 s0, $0xA;
	s2 =	sadd.s32 s3, s2  }
0x8d: {  	s2 =	sadd.s32 s2, s18  }
0x8e: {  	[smem:$0x3FC5] =	sst s2  }
0x8f: {  	_ = 	snop  }
0x90: {  	s2 =	sld [smem:$0x3FC9]  }
0x91: {  	s19 =	sld [smem:$0x3FC8]  }
0x92: {  	s4 =	sld [smem:$0x3FC7]  }
0x93: {  	s5 =	sld [smem:$0x3FD0];
	(tm) =	ssettm $0x1  }
0x94: {  	s6 =	sld [smem:$0x3FFB];
	_ =	sdelay $0x3  }
0x95: {  	_ =	strace s6  }
0x96: {  	s6 =	sld [smem:$0x3FFC];
	_ =	sdelay $0x3  }
0x97: {  	_ =	strace s6  }
0x98: {  	s6 =	sld [smem:$0x3FFD];
	_ =	sdelay $0x3  }
0x99: {  	_ =	strace s6  }
0x9a: {  	_ =	strace $0x8FFFFFFF  }
0x9b: {  	s20 =	sld [smem:$0x3FDB];
	_ =	sdelay $0x1  }
0x9c: {  	s7 =	simm.s32 $_scs_section_size  }
0x9d: {  	s8 =	simm.s32 $_size__tile_overlayer_lowered;
	s9 =	simm.s32 $_tile_overlayer_lowered  }
0x9e: {  	s23 =	simm.s32 $0x1BFF;
	s22 =	sshll.u32 s9, $0x1;
	s6 =	sadd.s32 s7, s20  }
0x9f: {  	s10 =	simm.s32 $0x0;
	s21 =	sshll.u32 s8, $0x1;
	s8 =	sadd.s32 s22, s6  }
0xa0: {  	[timem:s10], [sflag:s23] =	dma.local [hbm:s8], s21  }
0xa1: {  	_ =	swait.ge [sflag:s23], s21  }
0xa2: {  	s7 =	ssub.s32 $0x0, s21;
	[sflag:s23] =	ssyncset.done $0x0  }
0xa3: {  	[sflag:s23] =	ssyncadd.s32 s7;
	_ =	sdelay $0x1  }
0xa4: {  	s24 =	simm.s32 $0x1B8B  }
0xa5: {  	_ =	swait.ge [sflag:s24], $0x1  }
0xa6: {  	[sflag:s24] =	ssyncset.done $0x0  }
0xa7: {  	s25 =	simm.s32 $0x1B8E;
	[sflag:s24] =	ssyncadd.s32 $0xFFFFFFFF  }
0xa8: {  	s26 =	simm.s32 $execute0_lowered;
	[smem:$0x3FD2] =	sst s25  }
0xa9: {  	s7 =	sshll.u32 s26, $0x1;
	_ =	strace $0x80000046;
	[dreg:$0x1] =	wrdreg $0xFFFFFFFF  }
0xaa: {  	s28 =	simm.s32 $_size_execute0_lowered;
	s6 =	sadd.s32 s6, s7;
	[dreg:$0x0] =	wrdreg $0x0  }
0xab: {  	s7 =	sshll.u32 s28, $0x1;
	[dreg:$0x2] =	wrdreg s6  }
0xac: {  	[dreg:$0x3] =	wrdreg s7  }
0xad: {  	[dreg:$0x4] =	wrdreg $0xC0  }
0xae: {  	_ =	task [dreg:s10], $0x5FFFF  }
0xaf: {  	[dreg:$0x1] =	wrdreg $0xFFFFFFFF  }
0xb0: {  	[dreg:$0x0] =	wrdreg $0x60  }
0xb1: {  	[dreg:$0x2] =	wrdreg s2  }
0xb2: {  	[dreg:$0x3] =	wrdreg s19  }
0xb3: {  	[dreg:$0x4] =	wrdreg s4  }
0xb4: {  	[dreg:$0x5] =	wrdreg s5  }
0xb5: {  	[dreg:$0x6] =	wrdreg $0x1E000  }
0xb6: {  	[dreg:$0x7] =	wrdreg $0x1E100  }
0xb7: {  	[dreg:$0x8] =	wrdreg $0x9  }
0xb8: {  	_ =	task.clear_ibuf [dreg:s10], $0x9FFFF;
	_ =	strace $0x90000046  }
0xb9: {  	s29 =	simm.s32 $0x9;
	_ =	strace $0x80000048  }
0xba: {  	_ =	swait.ge [sflag:s29], $0x1  }
0xbb: {  	[sflag:s29] =	ssyncadd.s32 $0xFFFFFFFF  }
0xbc: {  	_ =	strace $0x90000048  }
0xbd: {  	_ =	sfence  }
0xbe: {  	s30 =	sld [smem:$0x0];
	_ =	sdelay $0x2  }
0xbf: {  	s31 =	sshll.u32 s1, $0xD;
	s1 =	sshrl.u32 s1, $0x2  }
0xc0: {  	s3 =	sand.u32 $0x4000, s31;
	s1 =	sadd.s32 s1, s30  }
0xc1: {  	s0 =	sor.u32 s3, s0;
	s1 =	sshll.u32 s1, $0x11  }
0xc2: {  	s0 =	sor.u32 s1, s0  }
0xc3: {  	s0 =	sadd.s32 $0x8F2B, s0  }
0xc4: {  	[sflag:s0] =	ssyncadd.remote.s32 $0x1  }
0xc5: {  	_ =	sfence.sel $0xFFFF  }
0xc6: {  	[dreg:$0x0] =	wrdreg $0xFFFFFFFF;
	(pc) =	sbr.abs _section_cstart, $3  }
0xc7: {  	[dreg:$0x1] =	wrdreg $0xFFFFFFFF  }
0xc8: {  	_ =	task.clear_ibuf [dreg:s10], $0x2FFFF;
	_ =	strace $0x9FFFFFFF  }
0xc9: {  	(tm) =	ssettm $0x7FFFFFFF  }
tec
execute0_lowered:
.L_overlay_start_1:
0x0: {  	(tag) =	ssettag $0x1  }
0x1: {  	s3 =	rddreg [dreg:$0x0]  }
0x2: {  	s0 =	rddreg [dreg:$0x1]  }
0x3: {  	s1 =	rddreg [dreg:$0x2];
	s2 =	srdreg.scid  }
0x4: {  	s11 =	rddreg [dreg:$0x3];
	s16 =	stileid.u32;
	v14 =	vimm.s32 $0x67452301  }
0x5: {  	s4 =	rddreg [dreg:$0x5];
	s15 =	simm.s32 $0x2;
	s5 =	smul.u32 $0x1870, s16;
	v14 =	vunpack.c.l.s4.s8 v14  }
0x6: {  	v7 =	vimm.s32 $0xEFCDAB89;
	s17 =	simm.s32 $0x1D80;
	s28 =	simm.s32 $0x31A0;
	s29 =	simm.s32 $0x0  }
0x7: {  	v1 =	vlaneseq.u32;
	s7 =	sand.u32 $0x1, s2;
	v16 =	vunpack.c.l.s4.s8 v7;
	s9 =	sadd.s32 $0x1800, s5;
	s22 =	sadd.s32 $0x1810, s5;
	v14 =	vunpack.c.0.s8.s32 v14  }
0x8: {  	s2 =	rddreg [dreg:$0x4];
	s30 =	sshll.u32 s16, $0x4;
	s23 =	sadd.s32 $0x1820, s5;
	v9 =	vmov s9;
	v2 =	vor.u32 s9, v1;
	v10 =	vmov s22  }
0x9: {  	p0 =	sne.s32 s16, $0x0;
	s24 =	sadd.s32 $0x1830, s5;
	s25 =	sadd.s32 $0x1840, s5;
	v3 =	vor.u32 s22, v1;
	v11 =	vmov s23;
	v4 =	vor.u32 s23, v1  }
0xa: {  	s12 =	sshll.u32 s7, $0x1;
	s13 =	sadd.s32 $0x1850, s5;
	s31 =	sadd.s32 $0x1860, s5;
	v12 =	vmov s24;
	v5 =	vor.u32 s24, v1;
	v13 =	vmov s25  }
0xb: {  	s16 =	simm.s32 $0x1D00;
	s7 =	ssub.s32 $0x2, s7;
	s6 =	scvt.s32.f32 s12;
	v6 =	vor.u32 s25, v1;
	v8 =	vmov s13;
	v15 =	vmov s31  }
0xc: {  	s10 =	sshrl.u32 s7, $0x1;
	s26 =	sshrl.u32 s5, $0x3;
	s11 =	sadd.s32 s11, s12;
	v7 =	vor.u32 s13, v1;
	vm0 =	vlt.u32 v15, $0x186A0;
	vm1 =	vlt.u32 v8, $0x186A0  }
.Ltmp0:
0xd: {  	s12 =	sadd.s32 $0x100, s0;
	s14 =	ssub.s32 s7, s10;
	v8 =	vor.u32 s31, v1;
	v15 =	vunpack.c.0.s8.s32 v16;
	vm2 =	vlt.u32 v13, $0x186A0;
	(pc) =	sbr.rel .LBB2_1-.Ltmp0, $4  }
0xe: {  	s7 =	sadd.s32 s3, s26;
	s9 =	sadd.s32 s30, s4;
	s10 =	sadd.s32 $0x80, s1;
	vm3 =	vlt.u32 v12, $0x186A0;
	v12 =	vmul.u32 $0xFFFFFFFF, v1;
	vm4 =	vlt.u32 v11, $0x186A0  }
0xf: {  	s13 =	sadd.s32 $0x4, s11;
	s8 =	ssub.f32 $1.000000000e+00, s6;
	s6 =	simm.s32 $0x0;
	vm5 =	vlt.u32 v10, $0x186A0;
	v11 =	vshrl.u32 v1, $0x3;
	v13 =	vcombine.low v14, v15  }
0x10: {  	s24 =	simm.s32 $0x1;
	s25 =	simm.s32 $0x30A0;
	vm6 =	vlt.u32 v9, $0x186A0;
	v10 =	vand.u32 $0x7, v1;
	[smem:$0x7FF] =	sst s6;
	v11 =	vmul.u32 $0x8, v11  }
0x11: {  	s14 =	smax.u32 s14, $0x1;
	v0 =	vmov s8;
	_ =	strace $0x80000047;
	s8 =	sadd.s32 s30, s2;
	v9 =	vadd.s32 $0xF, v12;
	v12 =	vand.u32 $0xF, v13  }
.LBB2_9:
0x12: {  	s29 =	sadd.s32 $0x1, s29  }
0x13: {  	p1 =	sne.s32 s29, s14  }
.Ltmp1:
0x14: {  	_ = 	snop;
	(pc) =	sbr.rel @!p1 .LBB2_10-.Ltmp1, $1  }
0x15: {  	_ =	sdelay $0x3  }
.LBB2_1:
0x16: {  	[tilespmem:s6], [sflag:$0x2] =	stream.linear.gather [hbm4b:s7+s6], $0x1870, $0x38;
	[tilespmem:$0x3220] =	vst v63  }
0x17: {  	_ =	swait.ge [sflag:s15], $0x1870  }
0x18: {  	[sflag:s15] =	ssyncset.done $0x0  }
0x19: {  	s3 =	simm.s32 $0x40;
	[sflag:s15] =	ssyncadd.s32 $0xFFFFE790  }
0x1a: {  	v13 =	vld [tilespmem:s3+$0xFFFFFFC0]  }
0x1b: {  	v14 =	vld [tilespmem:s3+$0xFFFFFFD0]  }
0x1c: {  	s18 =	sadd.s32 $0x0, s5;
	v15 =	vld [tilespmem:s3+$0xFFFFFFE0]  }
0x1d: {  	s19 =	sadd.s32 $0x10, s18;
	v16 =	vmov s18;
	v18 =	vld [tilespmem:s3+$0xFFFFFFF0]  }
0x1e: {  	v17 =	vor.u32 s18, v1;
	s20 =	sadd.s32 $0x20, s18;
	s21 =	sadd.s32 $0x30, s18;
	v19 =	vor.u32 s19, v1;
	vm7 =	vlt.u32 v16, $0x186A0  }
0x1f: {  	v16 =	vor.u32 s20, v1;
	v21 =	vor.u32 s21, v1;
	v22 =	vmov s19;
	v20 =	vld [tilespmem:s3+$0x0]  }
0x20: {  	s0 =	sadd.s32 $0x40, s18;
	v23 =	vmov s20;
	v24 =	vmov s21;
	v25 =	vld [tilespmem:s3+$0x10];
	v13 =	vmul.f32 v13, v0  }
0x21: {  	v26 =	vmov s0;
	v14 =	vmul.f32 v14, v0;
	v15 =	vmul.f32 v15, v0  }
0x22: {  	v18 =	vmul.f32 v18, v0;
	v13 =	vnsel vm7, $0xFF800000, v13;
	vm7 =	vlt.u32 v22, $0x186A0;
	v22 =	vld [tilespmem:s3+$0x20]  }
0x23: {  	vm8 =	vlt.u32 v24, $0x186A0;
	v14 =	vnsel vm7, $0xFF800000, v14;
	vm7 =	vlt.u32 v23, $0x186A0  }
0x24: {  	v20 =	vmul.f32 v20, v0;
	v23 =	vld [tilespmem:s3+$0x30];
	(xrf1) =	vsort.ascd.msk.f32 $0xffff, v13, v17;
	v13 =	vnsel vm7, $0xFF800000, v15;
	v15 =	vnsel vm8, $0xFF800000, v18  }
0x25: {  	s20 =	sadd.s32 $0x50, s18;
	vm7 =	vlt.u32 v26, $0x186A0;
	(xrf1) =	vsort.dscd.msk.f32 $0xffff, v14, v19;
	v14 =	vor.u32 s0, v1;
	v18 =	vmul.f32 v25, v0  }
0x26: {  	s21 =	sadd.s32 $0x60, s18;
	v19 =	vmov s20;
	v17 =	vnsel vm7, $0xFF800000, v20;
	(xrf1) =	vsort.ascd.msk.f32 $0xffff, v13, v16;
	v16 =	vor.u32 s20, v1  }
0x27: {  	s18 =	sadd.s32 $0x70, s18;
	vm7 =	vlt.u32 v19, $0x186A0;
	(xrf1) =	vsort.dscd.msk.f32 $0xffff, v15, v21;
	v15 =	vmov s21;
	v13 =	vmul.f32 v22, v0  }
0x28: {  	v20 =	vmov s18;
	(xrf1) =	vsort.ascd.msk.f32 $0xffff, v17, v14;
	v14 =	vnsel vm7, $0xFF800000, v18;
	vm7 =	vlt.u32 v15, $0x186A0  }
0x29: {  	v17 =	vor.u32 s21, v1;
	v15 =	vmul.f32 v23, v0;
	(xrf1) =	vsort.dscd.msk.f32 $0xffff, v14, v16;
	v13 =	vnsel vm7, $0xFF800000, v13  }
0x2a: {  	s3 =	simm.s32 $0xC0;
	vm7 =	vlt.u32 v20, $0x186A0;
	(xrf1) =	vsort.ascd.msk.f32 $0xffff, v13, v17  }
0x2b: {  	v14 =	vor.u32 s18, v1;
	v15 =	vnsel vm7, $0xFF800000, v15;
	v13 =	vld [tilespmem:s3+$0xFFFFFFC0]  }
0x2c: {  	v18 =	vld [tilespmem:s3+$0xFFFFFFF0];
	(xrf1) =	vsort.dscd.msk.f32 $0xffff, v15, v14  }
0x2d: {  	s18 =	sadd.s32 $0x80, s5;
	v14 =	vld [tilespmem:s3+$0xFFFFFFD0]  }
0x2e: {  	s22 =	sadd.s32 $0x10, s18;
	v16 =	vmov s18;
	s23 =	sadd.s32 $0x20, s18;
	v17 =	vor.u32 s18, v1;
	v15 =	vld [tilespmem:s3+$0xFFFFFFE0]  }
0x2f: {  	s26 =	sadd.s32 $0x30, s18;
	v20 =	vld [tilespmem:s3+$0x0];
	v19 =	vor.u32 s22, v1;
	vm7 =	vlt.u32 v16, $0x186A0;
	v16 =	vor.u32 s23, v1  }
0x30: {  	s0 =	sadd.s32 $0x40, s18;
	v21 =	vor.u32 s26, v1;
	v22 =	vmov s22;
	v13 =	vmul.f32 v13, v0  }
0x31: {  	v27 =	vld [tilespmem:s3+$0x10];
	v25 =	vmov s23;
	v26 =	vmov s26;
	v30 =	vmov s0  }
0x32: {  	v14 =	vmul.f32 v14, v0;
	v23, v24, _ =	vpop (xrf1);
	v13 =	vnsel vm7, $0xFF800000, v13;
	vm7 =	vlt.u32 v22, $0x186A0;
	v22 =	vld [tilespmem:s3+$0x20]  }
0x33: {  	vm8 =	vlt.u32 v26, $0x186A0;
	v18 =	vmul.f32 v18, v0;
	v15 =	vmul.f32 v15, v0;
	v28, v29, _ =	vpop (xrf1)  }
0x34: {  	v14 =	vnsel vm7, $0xFF800000, v14;
	vm7 =	vlt.u32 v25, $0x186A0;
	v31, v32, _ =	vpop (xrf1);
	(xrf1) =	vsort.ascd.msk.f32 $0xffff, v13, v17;
	v13 =	vmul.f32 v20, v0  }
0x35: {  	v15 =	vnsel vm7, $0xFF800000, v15;
	vm7 =	vlt.u32 v30, $0x186A0;
	v33, v34, _ =	vpop (xrf1);
	(xrf1) =	vsort.dscd.msk.f32 $0xffff, v14, v19;
	v14 =	vnsel vm8, $0xFF800000, v18  }
0x36: {  	v17, v20, _ =	vpop (xrf1);
	(xrf1) =	vsort.ascd.msk.f32 $0xffff, v15, v16;
	v13 =	vnsel vm7, $0xFF800000, v13;
	v16 =	vmul.f32 v27, v0;
	vm7 =	vgt.f32 v28, v23  }
0x37: {  	s20 =	sadd.s32 $0x50, s18;
	v15 =	vor.u32 s0, v1;
	vm8 =	vgt.f32 v33, v31;
	v18, v19, _ =	vpop (xrf1);
	v22 =	vmul.f32 v22, v0;
	(xrf1) =	vsort.dscd.msk.f32 $0xffff, v14, v21  }
0x38: {  	s21 =	sadd.s32 $0x60, s18;
	v14 =	vor.u32 s20, v1;
	v23 =	vsel vm7, v28, v23;
	v24 =	vsel vm7, v29, v24;
	v21, v25, _ =	vpop (xrf1);
	(xrf1) =	vsort.ascd.msk.f32 $0xffff, v13, v15;
	v15 =	vld [tilespmem:s3+$0x30]  }
0x39: {  	v28 =	vmov s21;
	v29 =	vsel vm8, v33, v31;
	vm9 =	vgt.f32 v18, v17  }
0x3a: {  	s18 =	sadd.s32 $0x70, s18;
	v30 =	vsel vm8, v34, v32;
	v13 =	vmov s20;
	v17 =	vsel vm9, v18, v17;
	v26, v27, _ =	vpop (xrf1);
	(xrf1) =	vsort.ascd.msk.f32 $0xffff, v23, v24  }
0x3b: {  	v18 =	vsel vm9, v19, v20;
	v23 =	vmov s18;
	vm7 =	vgt.f32 v26, v21;
	(xrf1) =	vsort.dscd.msk.f32 $0xffff, v29, v30  }
0x3c: {  	s30 =	simm.s32 $0x140;
	vm8 =	vlt.u32 v13, $0x186A0;
	v13 =	vsel vm7, v26, v21;
	v19 =	vsel vm7, v27, v25;
	(xrf1) =	vsort.ascd.msk.f32 $0xffff, v17, v18  }
0x3d: {  	v16 =	vnsel vm8, $0xFF800000, v16;
	vm7 =	vlt.u32 v28, $0x186A0;
	(xrf1) =	vsort.dscd.msk.f32 $0xffff, v13, v19;
	v19 =	vld [tilespmem:s30+$0xFFFFFFF0];
	v15 =	vmul.f32 v15, v0  }
0x3e: {  	v13 =	vor.u32 s21, v1;
	v17 =	vnsel vm7, $0xFF800000, v22;
	vm7 =	vlt.u32 v23, $0x186A0;
	(xrf1) =	vsort.dscd.msk.f32 $0xffff, v16, v14;
	v14 =	vld [tilespmem:s30+$0xFFFFFFC0]  }
0x3f: {  	s22 =	sadd.s32 $0x100, s5;
	v16 =	vor.u32 s18, v1;
	(xrf1) =	vsort.ascd.msk.f32 $0xffff, v17, v13;
	v13 =	vld [tilespmem:s30+$0xFFFFFFD0];
	v15 =	vnsel vm7, $0xFF800000, v15  }
0x40: {  	s23 =	sadd.s32 $0x10, s22;
	s19 =	sadd.s32 $0x40, s22;
	s0 =	sadd.s32 $0x30, s22;
	(xrf1) =	vsort.dscd.msk.f32 $0xffff, v15, v16;
	v15 =	vld [tilespmem:s30+$0xFFFFFFE0]  }
0x41: {  	s26 =	sadd.s32 $0x20, s22;
	v40 =	vmov s19;
	v31 =	vmov s0;
	v18 =	vor.u32 s23, v1  }
0x42: {  	v26 =	vmov s23;
	v27 =	vmov s26;
	v22 =	vor.u32 s0, v1;
	v23 =	vld [tilespmem:s30+$0x0]  }
0x43: {  	v17 =	vor.u32 s22, v1;
	v16 =	vmov s22;
	v14 =	vmul.f32 v14, v0  }
0x44: {  	v20, v21, _ =	vpop (xrf1);
	vm7 =	vlt.u32 v16, $0x186A0;
	v19 =	vmul.f32 v19, v0;
	v13 =	vmul.f32 v13, v0  }
0x45: {  	v24, v25, _ =	vpop (xrf1);
	v14 =	vnsel vm7, $0xFF800000, v14;
	vm7 =	vlt.u32 v26, $0x186A0;
	v15 =	vmul.f32 v15, v0  }
0x46: {  	v41 =	vld [tilespmem:s30+$0x20];
	v16 =	vor.u32 s26, v1;
	v29, v30, _ =	vpop (xrf1);
	v13 =	vnsel vm7, $0xFF800000, v13;
	vm7 =	vlt.u32 v27, $0x186A0;
	(xrf1) =	vsort.ascd.msk.f32 $0xffff, v14, v17  }
0x47: {  	v28 =	vld [tilespmem:s30+$0x10];
	v42, v35, _ =	vpop (xrf1);
	(xrf1) =	vsort.dscd.msk.f32 $0xffff, v13, v18;
	v14 =	vnsel vm7, $0xFF800000, v15;
	v15 =	vmul.f32 v23, v0;
	vm7 =	vlt.u32 v31, $0x186A0  }
0x48: {  	v26, v36, _ =	vpop (xrf1);
	(xrf1) =	vsort.ascd.msk.f32 $0xffff, v14, v16;
	v14 =	vnsel vm7, $0xFF800000, v19;
	v16 =	vor.u32 s19, v1;
	vm7 =	vlt.u32 v40, $0x186A0  }
0x49: {  	v13, v17, _ =	vpop (xrf1);
	v15 =	vnsel vm7, $0xFF800000, v15  }
0x4a: {  	v18, v19, _ =	vpop (xrf1)  }
0x4b: {  	v27 =	vmul.f32 v41, v0;
	(xrf1) =	vsort.dscd.msk.f32 $0xffff, v14, v22;
	v14, v22, _ =	vpop (xrf1)  }
0x4c: {  	v23 =	vmul.f32 v28, v0;
	(xrf1) =	vsort.ascd.msk.f32 $0xffff, v15, v16;
	vm8 =	vgt.f32 v18, v13;
	v15, v16, _ =	vpop (xrf1)  }
0x4d: {  	v13 =	vsel vm8, v18, v13;
	v17 =	vsel vm8, v19, v17;
	vm8 =	vgt.f32 v15, v14  }
0x4e: {  	vm7 =	vgt.f32 v24, v20;
	(xrf1) =	vsort.ascd.msk.f32 $0xffff, v13, v17;
	v28, v31, _ =	vpop (xrf1);
	v14 =	vsel vm8, v15, v14  }
0x4f: {  	s20 =	sadd.s32 $0x50, s22;
	v15 =	vsel vm8, v16, v22;
	v16 =	vld [tilespmem:s30+$0x30];
	vm8 =	vgt.f32 v42, v29;
	vm9 =	vgt.f32 v28, v26  }
0x50: {  	s21 =	sadd.s32 $0x60, s22;
	v13 =	vmov s20;
	v19, v43, _ =	vpop (xrf1);
	(xrf1) =	vsort.dscd.msk.f32 $0xffff, v14, v15;
	v14 =	vsel vm7, v24, v20;
	v15 =	vsel vm7, v25, v21  }
0x51: {  	v17, v22, _ =	vpop (xrf1);
	v20 =	vmov s21;
	v21 =	vsel vm8, v42, v29;
	v24 =	vsel vm8, v35, v30  }
0x52: {  	s22 =	sadd.s32 $0x70, s22;
	v25 =	vsel vm9, v31, v36;
	vm8 =	vlt.u32 v13, $0x186A0;
	vm7 =	vgt.f32 v17, v19;
	(xrf1) =	vsort.ascd.msk.f32 $0xffff, v14, v15  }
0x53: {  	v14 =	vmov s22;
	v15 =	vsel vm9, v28, v26;
	(xrf1) =	vsort.dscd.msk.f32 $0xffff, v21, v24;
	v13 =	vsel vm7, v17, v19  }
0x54: {  	s30 =	simm.s32 $0x1C0;
	v17 =	vsel vm7, v22, v43;
	vm7 =	vlt.u32 v20, $0x186A0;
	(xrf1) =	vsort.ascd.msk.f32 $0xffff, v15, v25;
	v16 =	vmul.f32 v16, v0  }
0x55: {  	v18 =	vor.u32 s20, v1;
	v19 =	vnsel vm7, $0xFF800000, v27;
	vm7 =	vlt.u32 v14, $0x186A0;
	(xrf1) =	vsort.dscd.msk.f32 $0xffff, v13, v17;
	v13 =	vld [tilespmem:s30+$0xFFFFFFC0]  }
0x56: {  	v15 =	vnsel vm8, $0xFF800000, v23;
	v17 =	vor.u32 s21, v1;
	v16 =	vnsel vm7, $0xFF800000, v16  }
0x57: {  	v14 =	vld [tilespmem:s30+$0xFFFFFFD0];
	(xrf1) =	vsort.dscd.msk.f32 $0xffff, v15, v18;
	v15 =	vor.u32 s22, v1  }
0x58: {  	s3 =	sadd.s32 $0x180, s5;
	(xrf1) =	vsort.ascd.msk.f32 $0xffff, v19, v17;
	v19 =	vld [tilespmem:s30+$0xFFFFFFE0]  }
0x59: {  	s0 =	sadd.s32 $0x30, s3;
	v17, v18, _ =	vpop (xrf1)  }
0x5a: {  	v46 =	vmov s0;
	s26 =	sadd.s32 $0x20, s3;
	v20 =	vmov s3;
	(xrf1) =	vsort.dscd.msk.f32 $0xffff, v16, v15;
	v13 =	vmul.f32 v13, v0;
	v15, v16, _ =	vpop (xrf1)  }
0x5b: {  	s23 =	sadd.s32 $0x10, s3;
	v29 =	vmov s26;
	v21 =	vor.u32 s3, v1;
	v23 =	vld [tilespmem:s30+$0xFFFFFFF0];
	vm7 =	vlt.u32 v20, $0x186A0;
	v24, v25, _ =	vpop (xrf1)  }
0x5c: {  	v28 =	vmov s23;
	v27 =	vld [tilespmem:s30+$0x0];
	v14 =	vmul.f32 v14, v0;
	v13 =	vnsel vm7, $0xFF800000, v13;
	v30, v31, _ =	vpop (xrf1)  }
0x5d: {  	v26 =	vor.u32 s0, v1;
	vm7 =	vlt.u32 v28, $0x186A0;
	v19 =	vmul.f32 v19, v0;
	v45, v44, _ =	vpop (xrf1)  }
0x5e: {  	v22 =	vor.u32 s23, v1;
	s21 =	sadd.s32 $0x40, s3;
	v14 =	vnsel vm7, $0xFF800000, v14;
	vm7 =	vlt.u32 v29, $0x186A0;
	v37, v38, _ =	vpop (xrf1)  }
0x5f: {  	v48 =	vld [tilespmem:s30+$0x10];
	vm8 =	vlt.u32 v46, $0x186A0;
	v47 =	vmov s21;
	(xrf1) =	vsort.ascd.msk.f32 $0xffff, v13, v21;
	v19 =	vnsel vm7, $0xFF800000, v19;
	v13, v21, _ =	vpop (xrf1)  }
0x60: {  	v20 =	vor.u32 s26, v1;
	v23 =	vmul.f32 v23, v0;
	v28 =	vld [tilespmem:s30+$0x20];
	vm7 =	vgt.f32 v13, v37  }
0x61: {  	v27 =	vmul.f32 v27, v0;
	(xrf1) =	vsort.dscd.msk.f32 $0xffff, v14, v22;
	v22 =	vor.u32 s21, v1;
	v13 =	vsel vm7, v13, v37  }
0x62: {  	(xrf1) =	vsort.ascd.msk.f32 $0xffff, v19, v20;
	v20 =	vsel vm7, v21, v38;
	v21 =	vnsel vm8, $0xFF800000, v23;
	vm7 =	vlt.u32 v47, $0x186A0  }
0x63: {  	v14, v19, _ =	vpop (xrf1);
	(xrf1) =	vsort.dscd.msk.f32 $0xffff, v13, v20;
	v13 =	vnsel vm7, $0xFF800000, v27  }
0x64: {  	v23, v29, _ =	vpop (xrf1)  }
0x65: {  	v20 =	vmul.f32 v48, v0;
	v27 =	vmul.f32 v28, v0;
	(xrf1) =	vsort.dscd.msk.f32 $0xffff, v21, v26;
	v21, v26, _ =	vpop (xrf1)  }
0x66: {  	vm7 =	vgt.f32 v15, v17;
	vm8 =	vgt.f32 v23, v14;
	(xrf1) =	vsort.ascd.msk.f32 $0xffff, v13, v22;
	v13, v22, _ =	vpop (xrf1)  }
0x67: {  	v14 =	vsel vm8, v23, v14;
	v19 =	vsel vm8, v29, v19;
	vm8 =	vgt.f32 v13, v21  }
0x68: {  	(xrf1) =	vsort.ascd.msk.f32 $0xffff, v14, v19;
	v49, v50, _ =	vpop (xrf1);
	v13 =	vsel vm8, v13, v21;
	v21 =	vsel vm8, v22, v26  }
0x69: {  	vm8 =	vgt.f32 v30, v24;
	vm9 =	vgt.f32 v49, v45;
	(xrf1) =	vsort.dscd.msk.f32 $0xffff, v13, v21  }
0x6a: {  	v29, v51, _ =	vpop (xrf1);
	v13 =	vsel vm7, v15, v17;
	v15 =	vsel vm7, v16, v18;
	v17 =	vsel vm8, v30, v24  }
0x6b: {  	s22 =	sadd.s32 $0x50, s3;
	v19 =	vld [tilespmem:s30+$0x30];
	v22, v26, _ =	vpop (xrf1);
	v18 =	vsel vm8, v31, v25;
	v21 =	vsel vm9, v50, v44;
	(xrf1) =	vsort.ascd.msk.f32 $0xffff, v13, v15  }
0x6c: {  	v14 =	vmov s22;
	vm7 =	vgt.f32 v22, v29;
	v15 =	vsel vm9, v49, v45;
	(xrf1) =	vsort.dscd.msk.f32 $0xffff, v17, v18  }
0x6d: {  	s23 =	sadd.s32 $0x60, s3;
	s30 =	simm.s32 $0x240;
	vm8 =	vlt.u32 v14, $0x186A0;
	v14 =	vsel vm7, v22, v29;
	v17 =	vsel vm7, v26, v51;
	(xrf1) =	vsort.ascd.msk.f32 $0xffff, v15, v21  }
0x6e: {  	v28 =	vimm.f32 $-Inf;
	v16 =	vmov s23;
	(xrf1) =	vsort.dscd.msk.f32 $0xffff, v14, v17;
	v14 =	vld [tilespmem:s30+$0xFFFFFFC0]  }
0x6f: {  	s26 =	sadd.s32 $0x70, s3;
	v23 =	vor.u32 s22, v1;
	vm7 =	vlt.u32 v16, $0x186A0;
	v22, v26, _ =	vpop (xrf1);
	v15 =	vnsel vm8, $0xFF800000, v20  }
0x70: {  	v13 =	vmov s26;
	v16 =	vmul.f32 v19, v0;
	v18 =	vnsel vm7, $0xFF800000, v27;
	(xrf1) =	vsort.dscd.msk.f32 $0xffff, v15, v23;
	v15 =	vld [tilespmem:s30+$0xFFFFFFD0];
	v27, v29, _ =	vpop (xrf1)  }
0x71: {  	s0 =	sadd.s32 $0x200, s5;
	vm7 =	vlt.u32 v13, $0x186A0;
	v13 =	vimm.s32 $0x0;
	v21 =	vld [tilespmem:s30+$0xFFFFFFE0];
	v17 =	vor.u32 s23, v1;
	v30, v31, _ =	vpop (xrf1)  }
0x72: {  	v19 =	vor.u32 s26, v1;
	v16 =	vnsel vm7, $0xFF800000, v16;
	(xrf1) =	vsort.ascd.msk.f32 $0xffff, v18, v17;
	v17 =	vmov s0;
	v23, v24, _ =	vpop (xrf1)  }
0x73: {  	s21 =	sadd.s32 $0x20, s0;
	vm7 =	vlt.u32 v17, $0x186A0;
	v17 =	vld [tilespmem:s30+$0xFFFFFFF0];
	vm8 =	vgt.f32 v23, v28;
	v56 =	vmul.f32 v14, v0  }
0x74: {  	s20 =	sadd.s32 $0x10, s0;
	v52 =	vmov s21;
	v53 =	vld [tilespmem:s30+$0x0];
	(xrf1) =	vsort.dscd.msk.f32 $0xffff, v16, v19;
	v54, v55, _ =	vpop (xrf1);
	v23 =	vsel vm8, v23, v28;
	v24 =	vsel vm8, v24, v13  }
0x75: {  	v25 =	vmov s20;
	v14, v13, _ =	vpop (xrf1);
	v15 =	vmul.f32 v15, v0;
	(xrf1) =	vsort.ascd.msk.f32 $0xffff, v23, v24;
	v23 =	vnsel vm7, $0xFF800000, v56  }
0x76: {  	v18 =	vor.u32 s0, v1;
	v21 =	vmul.f32 v21, v0;
	vm7 =	vlt.u32 v25, $0x186A0  }
0x77: {  	s22 =	sadd.s32 $0x30, s0;
	v20 =	vor.u32 s20, v1;
	v15 =	vnsel vm7, $0xFF800000, v15;
	vm7 =	vlt.u32 v52, $0x186A0  }
0x78: {  	s23 =	sadd.s32 $0x40, s0;
	v28 =	vmov s22;
	v25, v59, _ =	vpop (xrf1);
	v17 =	vmul.f32 v17, v0;
	v21 =	vnsel vm7, $0xFF800000, v21  }
0x79: {  	v60 =	vmul.f32 v53, v0;
	v57 =	vmov s23;
	v24 =	vld [tilespmem:s30+$0x20];
	vm8 =	vlt.u32 v28, $0x186A0;
	(xrf1) =	vsort.ascd.msk.f32 $0xffff, v23, v18;
	v18, v23, _ =	vpop (xrf1)  }
0x7a: {  	v16 =	vor.u32 s21, v1;
	(xrf1) =	vsort.dscd.msk.f32 $0xffff, v15, v20;
	v17 =	vnsel vm8, $0xFF800000, v17;
	vm7 =	vgt.f32 v18, v25  }
0x7b: {  	(xrf1) =	vsort.ascd.msk.f32 $0xffff, v21, v16;
	v15 =	vsel vm7, v18, v25;
	v16 =	vsel vm7, v23, v59;
	vm7 =	vlt.u32 v57, $0x186A0  }
0x7c: {  	vm8 =	vgt.f32 v27, v22;
	v20, v21, _ =	vpop (xrf1);
	v18 =	vor.u32 s23, v1;
	v28 =	vnsel vm7, $0xFF800000, v60  }
0x7d: {  	v58 =	vld [tilespmem:s30+$0x10];
	v19 =	vor.u32 s22, v1;
	vm9 =	vgt.f32 v54, v30;
	v63 =	vsel vm8, v27, v22;
	v23, v25, _ =	vpop (xrf1);
	(xrf1) =	vsort.dscd.msk.f32 $0xffff, v15, v16  }
0x7e: {  	v15 =	vmul.f32 v24, v0;
	(xrf1) =	vsort.dscd.msk.f32 $0xffff, v17, v19;
	v24, v61, _ =	vpop (xrf1);
	vm7 =	vgt.f32 v23, v20  }
0x7f: {  	v29 =	vsel vm8, v29, v26;
	(xrf1) =	vsort.ascd.msk.f32 $0xffff, v28, v18;
	v25 =	vsel vm7, v25, v21;
	v28, v62, _ =	vpop (xrf1)  }
0x80: {  	s19 =	sadd.s32 $0x60, s0;
	v27 =	vsel vm9, v54, v30;
	v23 =	vsel vm7, v23, v20;
	v19, v18, _ =	vpop (xrf1);
	vm7 =	vgt.f32 v28, v24  }
0x81: {  	s26 =	sadd.s32 $0x50, s0;
	v22 =	vld [tilespmem:s30+$0x30];
	v26 =	vmov s19;
	(xrf1) =	vsort.ascd.msk.f32 $0xffff, v23, v25;
	v21, v20, _ =	vpop (xrf1);
	v28 =	vsel vm7, v28, v24;
	v32 =	vsel vm7, v62, v61  }
0x82: {  	v16 =	vmul.f32 v58, v0;
	v17 =	vor.u32 s26, v1;
	vm7 =	vgt.f32 v19, v14;
	v25, v24, _ =	vpop (xrf1);
	(xrf1) =	vsort.dscd.msk.f32 $0xffff, v28, v32  }
0x83: {  	s31 =	simm.s32 $0x280;
	s18 =	sadd.s32 $0x70, s0;
	v23 =	vmov s26;
	v28 =	vsel vm9, v55, v31;
	vm8 =	vgt.f32 v25, v21;
	(xrf1) =	vsort.ascd.msk.f32 $0xffff, v63, v29  }
.LBB2_2:
0x84: {  	p1 =	sne.s32 s31, $0x1780;
	v29 =	vmov s18;
	v14 =	vsel vm7, v19, v14;
	v13 =	vsel vm7, v18, v13;
	(xrf1) =	vsort.dscd.msk.f32 $0xffff, v27, v28  }
0x85: {  	vm7 =	vlt.u32 v23, $0x186A0;
	v18 =	vsel vm8, v25, v21;
	v19 =	vsel vm8, v24, v20;
	(xrf1) =	vsort.ascd.msk.f32 $0xffff, v14, v13;
	v20, v21, _ =	vpop (xrf1)  }
0x86: {  	s30 =	sadd.s32 $0x80, s30;
	v13 =	vnsel vm7, $0xFF800000, v16;
	vm7 =	vlt.u32 v26, $0x186A0;
	v14 =	vmul.f32 v22, v0;
	(xrf1) =	vsort.dscd.msk.f32 $0xffff, v18, v19  }
0x87: {  	s3 =	sadd.s32 s31, s5;
	v16 =	vld [tilespmem:s30+$0xFFFFFFC0]  }
0x88: {  	s20 =	sadd.s32 $0x30, s3;
	v18 =	vor.u32 s19, v1;
	v15 =	vnsel vm7, $0xFF800000, v15;
	vm7 =	vlt.u32 v29, $0x186A0;
	v26, v27, _ =	vpop (xrf1);
	(xrf1) =	vsort.dscd.msk.f32 $0xffff, v13, v17  }
0x89: {  	s19 =	sadd.s32 $0x10, s3;
	v24 =	vor.u32 s20, v1;
	v13 =	vor.u32 s18, v1;
	v17 =	vld [tilespmem:s30+$0xFFFFFFD0];
	v14 =	vnsel vm7, $0xFF800000, v14;
	v28, v29, _ =	vpop (xrf1);
	(xrf1) =	vsort.ascd.msk.f32 $0xffff, v15, v18  }
0x8a: {  	v19 =	vor.u32 s19, v1;
	s18 =	sadd.s32 $0x20, s3;
	v15 =	vmov s3;
	v18 =	vor.u32 s3, v1;
	v22 =	vld [tilespmem:s30+$0xFFFFFFE0];
	v30, v31, _ =	vpop (xrf1);
	(xrf1) =	vsort.dscd.msk.f32 $0xffff, v14, v13  }
0x8b: {  	v39 =	vmov s19;
	vm7 =	vlt.u32 v15, $0x186A0;
	v15 =	vor.u32 s18, v1;
	v23 =	vld [tilespmem:s30+$0xFFFFFFF0];
	v25, v32, _ =	vpop (xrf1)  }
0x8c: {  	v34 =	vmov s18;
	v35 =	vld [tilespmem:s30+$0x0];
	v36, v37, _ =	vpop (xrf1);
	vm8 =	vgt.f32 v25, v20;
	v42 =	vmul.f32 v16, v0  }
0x8d: {  	s18 =	sadd.s32 $0x40, s3;
	v14, v13, _ =	vpop (xrf1);
	v20 =	vsel vm8, v25, v20;
	v21 =	vsel vm8, v32, v21;
	v25 =	vmov s20  }
0x8e: {  	v32 =	vmov s18;
	v17 =	vmul.f32 v17, v0;
	v38 =	vld [tilespmem:s30+$0x10];
	(xrf1) =	vsort.ascd.msk.f32 $0xffff, v20, v21;
	vm8 =	vlt.u32 v25, $0x186A0  }
0x8f: {  	v40 =	vnsel vm7, $0xFF800000, v42;
	vm7 =	vlt.u32 v39, $0x186A0;
	v43 =	vmul.f32 v22, v0;
	v21 =	vld [tilespmem:s30+$0x20];
	v22, v33, _ =	vpop (xrf1)  }
0x90: {  	v42 =	vnsel vm7, $0xFF800000, v17;
	vm7 =	vlt.u32 v34, $0x186A0;
	v41 =	vmul.f32 v23, v0;
	(xrf1) =	vsort.ascd.msk.f32 $0xffff, v40, v18;
	v16, v18, _ =	vpop (xrf1)  }
0x91: {  	v39 =	vnsel vm7, $0xFF800000, v43;
	v34 =	vmul.f32 v35, v0;
	(xrf1) =	vsort.dscd.msk.f32 $0xffff, v42, v19;
	vm7 =	vgt.f32 v16, v22  }
0x92: {  	(xrf1) =	vsort.ascd.msk.f32 $0xffff, v39, v15;
	v17, v20, _ =	vpop (xrf1);
	v15 =	vsel vm7, v16, v22;
	v16 =	vsel vm7, v18, v33;
	v18 =	vnsel vm8, $0xFF800000, v41  }
0x93: {  	v19 =	vor.u32 s18, v1;
	vm7 =	vlt.u32 v32, $0x186A0;
	v22, v23, _ =	vpop (xrf1);
	(xrf1) =	vsort.dscd.msk.f32 $0xffff, v15, v16  }
0x94: {  	v34 =	vnsel vm7, $0xFF800000, v34;
	v16 =	vmul.f32 v38, v0;
	v15 =	vmul.f32 v21, v0;
	(xrf1) =	vsort.dscd.msk.f32 $0xffff, v18, v24;
	v24, v32, _ =	vpop (xrf1)  }
0x95: {  	vm8 =	vgt.f32 v28, v26;
	vm7 =	vgt.f32 v22, v17;
	(xrf1) =	vsort.ascd.msk.f32 $0xffff, v34, v19;
	v25, v33, _ =	vpop (xrf1)  }
.Ltmp2:
0x96: {  	s18 =	sadd.s32 $0x50, s3;
	v22 =	vsel vm7, v22, v17;
	v23 =	vsel vm7, v23, v20;
	v19, v18, _ =	vpop (xrf1);
	vm7 =	vgt.f32 v25, v24;
	(pc) =	sbr.rel @p1 .LBB2_2-.Ltmp2, $4  }
0x97: {  	v17 =	vor.u32 s18, v1;
	v21, v20, _ =	vpop (xrf1);
	v34 =	vsel vm7, v25, v24;
	v32 =	vsel vm7, v33, v32;
	(xrf1) =	vsort.ascd.msk.f32 $0xffff, v22, v23  }
0x98: {  	vm9 =	vgt.f32 v36, v30;
	v23 =	vmov s18;
	vm7 =	vgt.f32 v19, v14;
	v22 =	vld [tilespmem:s30+$0x30];
	v25, v24, _ =	vpop (xrf1);
	(xrf1) =	vsort.dscd.msk.f32 $0xffff, v34, v32  }
0x99: {  	s19 =	sadd.s32 $0x60, s3;
	v29 =	vsel vm8, v29, v27;
	v32 =	vsel vm8, v28, v26;
	vm8 =	vgt.f32 v25, v21  }
0x9a: {  	s31 =	sadd.s32 $0x80, s31;
	v27 =	vsel vm9, v36, v30;
	s18 =	sadd.s32 $0x70, s3;
	v26 =	vmov s19;
	v28 =	vsel vm9, v37, v31;
	(xrf1) =	vsort.ascd.msk.f32 $0xffff, v32, v29  }
0x9b: {  	v29 =	vmov s18;
	v14 =	vsel vm7, v19, v14  }
0x9c: {  	v13 =	vsel vm7, v18, v13;
	(xrf1) =	vsort.dscd.msk.f32 $0xffff, v27, v28;
	vm7 =	vlt.u32 v23, $0x186A0;
	v43 =	vsel vm8, v25, v21  }
0x9d: {  	(xrf1) =	vsort.ascd.msk.f32 $0xffff, v14, v13;
	v13 =	vnsel vm7, $0xFF800000, v16;
	vm7 =	vlt.u32 v26, $0x186A0;
	v14 =	vmul.f32 v22, v0  }
0x9e: {  	v44 =	vsel vm8, v24, v20;
	v15 =	vnsel vm7, $0xFF800000, v15;
	vm7 =	vlt.u32 v29, $0x186A0  }
0x9f: {  	(xrf1) =	vsort.dscd.msk.f32 $0xffff, v43, v44;
	v14 =	vnsel vm7, $0xFF800000, v14  }
0xa0: {  	v45 =	vor.u32 s19, v1;
	(xrf1) =	vsort.dscd.msk.f32 $0xffff, v13, v17;
	v13, v17, _ =	vpop (xrf1)  }
0xa1: {  	v46 =	vor.u32 s18, v1;
	(xrf1) =	vsort.ascd.msk.f32 $0xffff, v15, v45;
	v15, v16, _ =	vpop (xrf1)  }
0xa2: {  	(xrf1) =	vsort.dscd.msk.f32 $0xffff, v14, v46;
	v14, v18, _ =	vpop (xrf1)  }
0xa3: {  	v47, v20, _ =	vpop (xrf1)  }
0xa4: {  	v48, v49, _ =	vpop (xrf1)  }
0xa5: {  	v50, v51, _ =	vpop (xrf1)  }
0xa6: {  	v52, v53, _ =	vpop (xrf1)  }
0xa7: {  	v27, v28, _ =	vpop (xrf1)  }
0xa8: {  	vm7 =	vgt.f32 v48, v13;
	v54, v30, _ =	vpop (xrf1)  }
0xa9: {  	v13 =	vsel vm7, v48, v13;
	v17 =	vsel vm7, v49, v17;
	v31, v32, _ =	vpop (xrf1);
	vm7 =	vgt.f32 v54, v27  }
0xaa: {  	(xrf1) =	vsort.ascd.msk.f32 $0xffff, v13, v17;
	v55, v56, _ =	vpop (xrf1);
	v13 =	vsel vm7, v54, v27  }
0xab: {  	vm8 =	vgt.f32 v55, v31  }
0xac: {  	v57 =	vsel vm7, v30, v28;
	v58, v59, _ =	vpop (xrf1);
	v22 =	vsel vm8, v56, v32  }
0xad: {  	(xrf1) =	vsort.dscd.msk.f32 $0xffff, v13, v57;
	v21 =	vsel vm8, v55, v31;
	v13, v17, _ =	vpop (xrf1)  }
0xae: {  	v60, v61, _ =	vpop (xrf1);
	vm8 =	vgt.f32 v13, v58  }
0xaf: {  	v62, v63, _ =	vpop (xrf1);
	v13 =	vsel vm8, v13, v58;
	v17 =	vsel vm8, v17, v59;
	(xrf1) =	vsort.ascd.msk.f32 $0xffff, v21, v22  }
0xb0: {  	v21, v22, _ =	vpop (xrf1);
	(xrf1) =	vsort.dscd.msk.f32 $0xffff, v13, v17  }
0xb1: {  	vm7 =	vgt.f32 v14, v15;
	vm8 =	vgt.f32 v50, v47;
	vm9 =	vgt.f32 v60, v52  }
0xb2: {  	v13 =	vsel vm7, v14, v15;
	v14 =	vsel vm7, v18, v16;
	v15 =	vsel vm8, v50, v47  }
0xb3: {  	v34 =	vsel vm8, v51, v20;
	vm7 =	vgt.f32 v21, v62;
	(xrf1) =	vsort.ascd.msk.f32 $0xffff, v13, v14  }
0xb4: {  	v13 =	vsel vm9, v60, v52;
	v14 =	vsel vm9, v61, v53;
	(xrf1) =	vsort.dscd.msk.f32 $0xffff, v15, v34  }
0xb5: {  	v15 =	vsel vm7, v21, v62;
	v35 =	vsel vm7, v22, v63;
	(xrf1) =	vsort.ascd.msk.f32 $0xffff, v13, v14  }
0xb6: {  	(xrf1) =	vsort.dscd.msk.f32 $0xffff, v15, v35;
	_ =	sdelay $0x4  }
0xb7: {  	v13, v14, _ =	vpop (xrf1)  }
0xb8: {  	v15, v16, _ =	vpop (xrf1)  }
0xb9: {  	v36, v37, _ =	vpop (xrf1)  }
0xba: {  	vm7 =	vgt.f32 v15, v13;
	v38, v39, _ =	vpop (xrf1)  }
0xbb: {  	v13 =	vsel vm7, v15, v13;
	v14 =	vsel vm7, v16, v14;
	vm7 =	vgt.f32 v38, v36  }
0xbc: {  	(xrf1) =	vsort.ascd.msk.f32 $0xffff, v13, v14;
	v14 =	vsel vm7, v39, v37  }
0xbd: {  	v40, v41, _ =	vpop (xrf1);
	v13 =	vsel vm7, v38, v36  }
0xbe: {  	v15, v42, _ =	vpop (xrf1)  }
0xbf: {  	v43, v44, _ =	vpop (xrf1)  }
0xc0: {  	(xrf1) =	vsort.dscd.msk.f32 $0xffff, v13, v14;
	vm7 =	vgt.f32 v15, v40;
	v13, v14, _ =	vpop (xrf1)  }
0xc1: {  	v15 =	vsel vm7, v15, v40;
	v16 =	vsel vm7, v42, v41;
	vm7 =	vgt.f32 v13, v43  }
0xc2: {  	(xrf1) =	vsort.ascd.msk.f32 $0xffff, v15, v16;
	v13 =	vsel vm7, v13, v43;
	v14 =	vsel vm7, v14, v44  }
0xc3: {  	(xrf1) =	vsort.dscd.msk.f32 $0xffff, v13, v14;
	_ =	sdelay $0xa  }
0xc4: {  	v13, v14, _ =	vpop (xrf1)  }
0xc5: {  	v15, v16, _ =	vpop (xrf1)  }
0xc6: {  	v45, v46, _ =	vpop (xrf1)  }
0xc7: {  	vm7 =	vgt.f32 v15, v13;
	v47, v48, _ =	vpop (xrf1)  }
0xc8: {  	v13 =	vsel vm7, v15, v13;
	v14 =	vsel vm7, v16, v14;
	vm7 =	vgt.f32 v47, v45  }
0xc9: {  	(xrf1) =	vsort.ascd.msk.f32 $0xffff, v13, v14;
	v13 =	vsel vm7, v47, v45;
	v14 =	vsel vm7, v48, v46  }
0xca: {  	(xrf1) =	vsort.dscd.msk.f32 $0xffff, v13, v14;
	_ =	sdelay $0x9  }
0xcb: {  	v13 =	vld [tilespmem:$0x1800];
	_ =	sdelay $0x2  }
0xcc: {  	v14, v15, _ =	vpop (xrf1)  }
0xcd: {  	v49, v50, _ =	vpop (xrf1)  }
0xce: {  	v13 =	vmul.f32 v13, v0;
	vm7 =	vgt.f32 v49, v14  }
0xcf: {  	v14 =	vsel vm7, v49, v14;
	v15 =	vsel vm7, v50, v15  }
0xd0: {  	v13 =	vnsel vm6, $0xFF800000, v13;
	(xrf1) =	vsort.ascd.msk.f32 $0xffff, v14, v15  }
0xd1: {  	(xrf1) =	vsort.dscd.msk.f32 $0xffff, v13, v2;
	_ =	sdelay $0x9  }
0xd2: {  	v13 =	vld [tilespmem:$0x1810];
	_ =	sdelay $0x2  }
0xd3: {  	v14, v15, _ =	vpop (xrf1)  }
0xd4: {  	v51, v52, _ =	vpop (xrf1)  }
0xd5: {  	v13 =	vmul.f32 v13, v0;
	vm7 =	vgt.f32 v51, v14  }
0xd6: {  	v14 =	vsel vm7, v51, v14;
	v15 =	vsel vm7, v52, v15  }
0xd7: {  	v13 =	vnsel vm5, $0xFF800000, v13;
	(xrf1) =	vsort.ascd.msk.f32 $0xffff, v14, v15  }
0xd8: {  	(xrf1) =	vsort.dscd.msk.f32 $0xffff, v13, v3;
	_ =	sdelay $0x9  }
0xd9: {  	v13 =	vld [tilespmem:$0x1820];
	_ =	sdelay $0x2  }
0xda: {  	v14, v15, _ =	vpop (xrf1)  }
0xdb: {  	v53, v54, _ =	vpop (xrf1)  }
0xdc: {  	v13 =	vmul.f32 v13, v0;
	vm7 =	vgt.f32 v53, v14  }
0xdd: {  	v14 =	vsel vm7, v53, v14;
	v15 =	vsel vm7, v54, v15  }
0xde: {  	v13 =	vnsel vm4, $0xFF800000, v13;
	(xrf1) =	vsort.ascd.msk.f32 $0xffff, v14, v15  }
0xdf: {  	(xrf1) =	vsort.dscd.msk.f32 $0xffff, v13, v4;
	_ =	sdelay $0x9  }
0xe0: {  	v13 =	vld [tilespmem:$0x1830];
	_ =	sdelay $0x2  }
0xe1: {  	v14, v15, _ =	vpop (xrf1)  }
0xe2: {  	v55, v56, _ =	vpop (xrf1)  }
0xe3: {  	v13 =	vmul.f32 v13, v0;
	vm7 =	vgt.f32 v55, v14  }
0xe4: {  	v14 =	vsel vm7, v55, v14;
	v15 =	vsel vm7, v56, v15  }
0xe5: {  	v13 =	vnsel vm3, $0xFF800000, v13;
	(xrf1) =	vsort.ascd.msk.f32 $0xffff, v14, v15  }
0xe6: {  	(xrf1) =	vsort.dscd.msk.f32 $0xffff, v13, v5;
	_ =	sdelay $0x9  }
0xe7: {  	v13 =	vld [tilespmem:$0x1840];
	_ =	sdelay $0x2  }
0xe8: {  	v14, v15, _ =	vpop (xrf1)  }
0xe9: {  	v57, v58, _ =	vpop (xrf1)  }
0xea: {  	v13 =	vmul.f32 v13, v0;
	vm7 =	vgt.f32 v57, v14  }
0xeb: {  	v14 =	vsel vm7, v57, v14;
	v15 =	vsel vm7, v58, v15  }
0xec: {  	v13 =	vnsel vm2, $0xFF800000, v13;
	(xrf1) =	vsort.ascd.msk.f32 $0xffff, v14, v15  }
0xed: {  	(xrf1) =	vsort.dscd.msk.f32 $0xffff, v13, v6;
	_ =	sdelay $0x9  }
0xee: {  	v13 =	vld [tilespmem:$0x1850];
	_ =	sdelay $0x2  }
0xef: {  	v14, v15, _ =	vpop (xrf1)  }
0xf0: {  	v59, v60, _ =	vpop (xrf1)  }
0xf1: {  	v13 =	vmul.f32 v13, v0;
	vm7 =	vgt.f32 v59, v14  }
0xf2: {  	v14 =	vsel vm7, v59, v14;
	v15 =	vsel vm7, v60, v15  }
0xf3: {  	v13 =	vnsel vm1, $0xFF800000, v13;
	(xrf1) =	vsort.ascd.msk.f32 $0xffff, v14, v15  }
0xf4: {  	(xrf1) =	vsort.dscd.msk.f32 $0xffff, v13, v7;
	_ =	sdelay $0x9  }
0xf5: {  	v13 =	vld [tilespmem:$0x1860];
	_ =	sdelay $0x2  }
0xf6: {  	v14, v15, _ =	vpop (xrf1)  }
0xf7: {  	v61, v62, _ =	vpop (xrf1)  }
0xf8: {  	v13 =	vmul.f32 v13, v0;
	vm7 =	vgt.f32 v61, v14  }
0xf9: {  	v14 =	vsel vm7, v61, v14;
	v15 =	vsel vm7, v62, v15  }
0xfa: {  	v13 =	vnsel vm0, $0xFF800000, v13;
	(xrf1) =	vsort.ascd.msk.f32 $0xffff, v14, v15  }
0xfb: {  	(xrf1) =	vsort.dscd.msk.f32 $0xffff, v13, v8;
	_ =	sdelay $0xc  }
0xfc: {  	v13, v14, _ =	vpop (xrf1)  }
0xfd: {  	v15, v63, _ =	vpop (xrf1)  }
0xfe: {  	vm7 =	vgt.f32 v15, v13  }
0xff: {  	v13 =	vsel vm7, v15, v13;
	v14 =	vsel vm7, v63, v14  }
0x100: {  	(xrf1) =	vsort.ascd.msk.f32 $0xffff, v13, v14;
	_ =	sdelay $0xd  }
0x101: {  	v13, v14, _ =	vpop (xrf1)  }
0x102: {  	v13 =	vperm.xlane v13, v9  }
0x103: {  	v14 =	vperm.xlane v14, v9  }
0x104: {  	[tilespmem:$0x1D00] =	vst v13  }
0x105: {  	[tilespmem:$0x1D80] =	vst v14  }
0x106: {  	[spmem:s8] =	stream.linear.scatter [tilespmem:s16], [sflag:$0x2], $0x10, $0x38;
	[tilespmem:$0x3220] =	vst v63  }
0x107: {  	_ =	swait.ge [sflag:s15], $0x10  }
0x108: {  	[sflag:s15] =	ssyncset.done $0x0  }
0x109: {  	[sflag:s15] =	ssyncadd.s32 $0xFFFFFFF0  }
0x10a: {  	[spmem:s9] =	stream.linear.scatter [tilespmem:s17], [sflag:$0x2], $0x10, $0x38;
	[tilespmem:$0x3220] =	vst v63  }
.Ltmp3:
0x10b: {  	_ =	swait.ge [sflag:s15], $0x10;
	(pc) =	sbr.rel @p0 .LBB2_9-.Ltmp3, $3  }
0x10c: {  	[sflag:s15] =	ssyncset.done $0x0  }
0x10d: {  	[sflag:s15] =	ssyncadd.s32 $0xFFFFFFF0  }
0x10e: {  	[bflag:$0x0] =	sbarrier.arrive $0xFFFF;
	_ =	sdelay $0x1  }
0x10f: {  	s0 =	simm.s32 $0x1E20  }
0x110: {  	[tilespmem:s0], [sflag:$0x2] =	stream.linear.gather [spmem:s2], $0x100, $0x38;
	[tilespmem:$0x3220] =	vst v63  }
0x111: {  	_ =	swait.ge [sflag:s15], $0x100  }
0x112: {  	[sflag:s15] =	ssyncset.done $0x0  }
0x113: {  	s20 =	simm.s32 $0x1F20;
	[sflag:s15] =	ssyncadd.s32 $0xFFFFFF00  }
0x114: {  	[tilespmem:s20], [sflag:$0x2] =	stream.linear.gather [spmem:s4], $0x100, $0x38;
	[tilespmem:$0x3220] =	vst v63  }
0x115: {  	_ =	swait.ge [sflag:s15], $0x100  }
0x116: {  	[sflag:s15] =	ssyncset.done $0x0  }
0x117: {  	s30 =	simm.s32 $0x0;
	s21 =	simm.s32 $0x1880;
	[sflag:s15] =	ssyncadd.s32 $0xFFFFFF00  }
0x118: {  	[tilespmem:s21], [sflag:$0x2] =	stream.linear.gather [hbm4b:s1+s30], $0x400, $0x38;
	[tilespmem:$0x3220] =	vst v63  }
0x119: {  	_ =	swait.ge [sflag:s15], $0x400  }
0x11a: {  	[sflag:s15] =	ssyncset.done $0x0  }
0x11b: {  	s22 =	simm.s32 $0x1C80;
	[sflag:s15] =	ssyncadd.s32 $0xFFFFFC00  }
0x11c: {  	[tilespmem:s22], [sflag:$0x2] =	stream.linear.gather [hbm4b:s10+s30], $0x10, $0x38;
	[tilespmem:$0x3220] =	vst v63  }
0x11d: {  	_ =	swait.ge [sflag:s15], $0x10  }
0x11e: {  	[sflag:s15] =	ssyncset.done $0x0  }
0x11f: {  	[sflag:s15] =	ssyncadd.s32 $0xFFFFFFF0  }
0x120: {  	v13 =	vld [tilespmem:$0x1E20]  }
0x121: {  	v14 =	vld [tilespmem:$0x1F20]  }
0x122: {  	v15 =	vld [tilespmem:$0x1E30]  }
0x123: {  	v16 =	vld [tilespmem:$0x1F30]  }
0x124: {  	v17 =	vld [tilespmem:$0x1E40]  }
0x125: {  	v18 =	vld [tilespmem:$0x1F40]  }
0x126: {  	v19 =	vld [tilespmem:$0x1E50]  }
0x127: {  	v20 =	vld [tilespmem:$0x1F50]  }
0x128: {  	v21 =	vld [tilespmem:$0x1E60]  }
0x129: {  	v22 =	vld [tilespmem:$0x1F60]  }
0x12a: {  	v23 =	vld [tilespmem:$0x1E70]  }
0x12b: {  	v24 =	vld [tilespmem:$0x1F70]  }
0x12c: {  	v25 =	vld [tilespmem:$0x1E80]  }
0x12d: {  	v26 =	vld [tilespmem:$0x1F80]  }
0x12e: {  	v27 =	vld [tilespmem:$0x1E90]  }
0x12f: {  	v28 =	vld [tilespmem:$0x1F90]  }
0x130: {  	v29 =	vld [tilespmem:$0x1EA0]  }
0x131: {  	v30 =	vld [tilespmem:$0x1FA0]  }
0x132: {  	v31 =	vld [tilespmem:$0x1EC0]  }
0x133: {  	v32 =	vld [tilespmem:$0x1FC0];
	v13 =	vperm.xlane v13, v9  }
0x134: {  	v33 =	vld [tilespmem:$0x1EE0];
	v14 =	vperm.xlane v14, v9;
	v17 =	vperm.xlane v17, v9  }
0x135: {  	v34 =	vld [tilespmem:$0x1EB0];
	v18 =	vperm.xlane v18, v9;
	v21 =	vperm.xlane v21, v9  }
0x136: {  	v35 =	vld [tilespmem:$0x1FB0];
	v22 =	vperm.xlane v22, v9;
	v25 =	vperm.xlane v25, v9  }
0x137: {  	v36 =	vld [tilespmem:$0x1FE0];
	v26 =	vperm.xlane v26, v9;
	v29 =	vperm.xlane v29, v9  }
0x138: {  	v37 =	vld [tilespmem:$0x1ED0];
	v30 =	vperm.xlane v30, v9;
	v31 =	vperm.xlane v31, v9  }
0x139: {  	v38 =	vld [tilespmem:$0x1FD0];
	v32 =	vperm.xlane v32, v9;
	v33 =	vperm.xlane v33, v9;
	vm7 =	vgt.f32 v15, v13  }
0x13a: {  	v39 =	vld [tilespmem:$0x1F00];
	v13 =	vsel vm7, v15, v13;
	v14 =	vsel vm7, v16, v14;
	vm7 =	vgt.f32 v19, v17  }
0x13b: {  	v41 =	vld [tilespmem:$0x1FF0];
	(xrf1) =	vsort.ascd.msk.f32 $0xffff, v13, v14;
	v13 =	vsel vm7, v19, v17;
	v14 =	vsel vm7, v20, v18  }
0x13c: {  	v40 =	vperm.xlane v36, v9;
	v15 =	vld [tilespmem:$0x1EF0];
	vm7 =	vgt.f32 v23, v21;
	(xrf1) =	vsort.dscd.msk.f32 $0xffff, v13, v14  }
0x13d: {  	v13 =	vld [tilespmem:$0x2000];
	v14 =	vsel vm7, v23, v21;
	v42 =	vsel vm7, v24, v22;
	vm7 =	vgt.f32 v27, v25  }
0x13e: {  	v43 =	vld [tilespmem:$0x1F10];
	(xrf1) =	vsort.ascd.msk.f32 $0xffff, v14, v42;
	v14 =	vsel vm7, v27, v25;
	v44 =	vsel vm7, v28, v26  }
0x13f: {  	v46 =	vld [tilespmem:$0x2010];
	v45 =	vperm.xlane v39, v9;
	vm7 =	vgt.f32 v34, v29;
	(xrf1) =	vsort.dscd.msk.f32 $0xffff, v14, v44  }
0x140: {  	v14 =	vsel vm7, v34, v29;
	v47 =	vsel vm7, v35, v30;
	vm7 =	vgt.f32 v37, v31  }
0x141: {  	(xrf1) =	vsort.ascd.msk.f32 $0xffff, v14, v47;
	v14 =	vsel vm7, v37, v31;
	v48 =	vsel vm7, v38, v32  }
0x142: {  	vm7 =	vgt.f32 v15, v33;
	(xrf1) =	vsort.dscd.msk.f32 $0xffff, v14, v48;
	v13 =	vperm.xlane v13, v9  }
0x143: {  	v14 =	vsel vm7, v15, v33;
	v15 =	vsel vm7, v41, v40;
	vm7 =	vgt.f32 v43, v45  }
0x144: {  	(xrf1) =	vsort.ascd.msk.f32 $0xffff, v14, v15;
	v14 =	vsel vm7, v43, v45;
	v13 =	vsel vm7, v46, v13  }
0x145: {  	(xrf1) =	vsort.dscd.msk.f32 $0xffff, v14, v13;
	_ =	sdelay $0x6  }
0x146: {  	v13, v14, _ =	vpop (xrf1)  }
0x147: {  	v15, v16, _ =	vpop (xrf1)  }
0x148: {  	v50, v49, _ =	vpop (xrf1)  }
0x149: {  	v19, v20, _ =	vpop (xrf1)  }
0x14a: {  	vm7 =	vgt.f32 v15, v13;
	v52, v51, _ =	vpop (xrf1)  }
0x14b: {  	v13 =	vsel vm7, v15, v13;
	v14 =	vsel vm7, v16, v14;
	vm7 =	vgt.f32 v19, v50;
	v53, v54, _ =	vpop (xrf1)  }
0x14c: {  	(xrf1) =	vsort.ascd.msk.f32 $0xffff, v13, v14;
	v13 =	vsel vm7, v19, v50;
	v14 =	vsel vm7, v20, v49;
	v15, v55, _ =	vpop (xrf1)  }
0x14d: {  	(xrf1) =	vsort.dscd.msk.f32 $0xffff, v13, v14;
	vm7 =	vgt.f32 v53, v52;
	v56, v57, _ =	vpop (xrf1)  }
0x14e: {  	v13 =	vsel vm7, v53, v52;
	v14 =	vsel vm7, v54, v51;
	vm7 =	vgt.f32 v56, v15  }
0x14f: {  	(xrf1) =	vsort.ascd.msk.f32 $0xffff, v13, v14;
	v13 =	vsel vm7, v56, v15;
	v14 =	vsel vm7, v57, v55  }
0x150: {  	(xrf1) =	vsort.dscd.msk.f32 $0xffff, v13, v14;
	_ =	sdelay $0xa  }
0x151: {  	v13, v14, _ =	vpop (xrf1)  }
0x152: {  	v15, v58, _ =	vpop (xrf1)  }
0x153: {  	v59, v60, _ =	vpop (xrf1)  }
0x154: {  	vm7 =	vgt.f32 v15, v13;
	v61, v62, _ =	vpop (xrf1)  }
0x155: {  	v13 =	vsel vm7, v15, v13;
	v14 =	vsel vm7, v58, v14;
	vm7 =	vgt.f32 v61, v59  }
0x156: {  	(xrf1) =	vsort.ascd.msk.f32 $0xffff, v13, v14;
	v13 =	vsel vm7, v61, v59;
	v14 =	vsel vm7, v62, v60  }
0x157: {  	(xrf1) =	vsort.dscd.msk.f32 $0xffff, v13, v14;
	_ =	sdelay $0xc  }
0x158: {  	v13, v14, _ =	vpop (xrf1)  }
0x159: {  	v15, v63, _ =	vpop (xrf1)  }
0x15a: {  	vm7 =	vgt.f32 v15, v13  }
0x15b: {  	v13 =	vsel vm7, v15, v13;
	v14 =	vsel vm7, v63, v14  }
0x15c: {  	(xrf1) =	vsort.ascd.msk.f32 $0xffff, v13, v14;
	_ =	sdelay $0xd  }
0x15d: {  	_, v13, _ =	vpop (xrf1)  }
0x15e: {  	v13 =	vperm.xlane v13, v9;
	_ =	sdelay $0x1  }
0x15f: {  	[tilespmem:$0x2020] =	vst v13  }
0x160: {  	v13 =	vld.msk [tilespmem:$0x2020], $0xff;
	_ =	sdelay $0x4  }
0x161: {  	v14 =	vshll.u32 v13, $0x2  }
0x162: {  	v13 =	vand.u32 $0x7, v13;
	v14 =	vand.u32 $0xFFFFFFE0, v14  }
0x163: {  	v13 =	vor.u32 v13, v14  }
0x164: {  	v13 =	vperm.xlane v13, v10;
	_ =	sdelay $0x1  }
0x165: {  	v13 =	vadd.s32 v11, v13;
	_ =	sdelay $0x3  }
0x166: {  	s3 =	simm.s32 $0x20A0;
	s23 =	rddreg [dreg:$0x1];
	vm7 =	vmmov $0xffff  }
0x167: {  	[tilespmem:s3], [sflag:$0x1] =	stream.indirect_vreg.gather [hbm4b:s23+s30], $0x80, v13, vm7, $0xb8;
	[tilespmem:$0x3220] =	vst v63  }
0x168: {  	s26 =	simm.s32 $0x28A0  }
0x169: {  	[tilespmem:s26], [sflag:$0x1] =	stream.indirect_vreg.gather [hbm4b:s12+s30], $0x80, v13, vm7, $0xb8;
	[tilespmem:$0x3220] =	vst v63  }
0x16a: {  	_ =	swait.ge [sflag:s24], $0x1000  }
0x16b: {  	[sflag:s24] =	ssyncset.done $0x0  }
0x16c: {  	[sflag:s24] =	ssyncadd.s32 $0xFFFFF000  }
0x16d: {  	v13 =	vld [tilespmem:$0x1C80];
	_ =	sdelay $0x4  }
0x16e: {  	(v2sf) =	vpush v13, $0x0  }
0x16f: {  	(v2sf) =	vpush v13, $0x1;
	_ =	sdelay $0xd  }
0x170: {  	s3 =	spop (v2sf)  }
0x171: {  	s18 =	simm.s32 $0x0;
	v13 =	vimm.f32 $0.0e+00;
	s31 =	spop (v2sf)  }
.LBB2_5:
0x172: {  	s19 =	sshll.u32 s18, $0x7  }
0x173: {  	s21 =	sand.u32 $0x3000, s30;
	s19 =	sand.u32 $0x3FFFFF80, s19  }
0x174: {  	s20 =	simm.s32 $0x1880;
	s21 =	sshrl.u32 s21, $0x2;
	s19 =	sadd.s32 $0x20A0, s19  }
0x175: {  	s22 =	sand.u32 $0x70, s30;
	s23 =	sand.u32 $0x1F0, s30;
	v15 =	vld [tilespmem:s20+$0x0];
	s21 =	sadd.s32 s21, s19  }
0x176: {  	v14 =	vld [tilespmem:s23+$0x1A80];
	s22 =	sadd.s32 s22, s21  }
0x177: {  	v16 =	vimm.f32 $0.0e+00;
	v17 =	vimm.f32 $0.0e+00;
	s21 =	simm.s32 $0x10;
	v18 =	vld [tilespmem:s22+$0x0];
	s22 =	simm.s32 $0x200  }
.LBB2_6:
0x178: {  	s23 =	sand.u32 $0x3000, s22  }
0x179: {  	p1 =	sne.s32 s21, $0x1F0;
	s0 =	smov.u32 s21;
	s21 =	sadd.s32 $0x10, s21  }
.Ltmp4:
0x17a: {  	s20 =	sadd.s32 $0x10, s20;
	s23 =	sshrl.u32 s23, $0x2;
	v19 =	vmov v15;
	(pc) =	sbr.rel @p1 .LBB2_6-.Ltmp4, $4  }
0x17b: {  	s26 =	sand.u32 $0x70, s0;
	s0 =	sand.u32 $0x1F0, s0;
	s23 =	sadd.s32 s23, s19;
	v15 =	vld [tilespmem:s20+$0x0]  }
0x17c: {  	s23 =	sadd.s32 s26, s23;
	v19 =	vmul.f32 v19, v18;
	v20 =	vmul.f32 v14, v18;
	v14 =	vld [tilespmem:s0+$0x1A80]  }
0x17d: {  	v18 =	vld [tilespmem:s23+$0x0]  }
0x17e: {  	s22 =	sadd.s32 $0x200, s22;
	v16 =	vadd.f32 v19, v16;
	v17 =	vadd.f32 v20, v17  }
0x17f: {  	_ =	sdelay $0x2  }
0x180: {  	v15 =	vmul.f32 v15, v18  }
0x181: {  	v14 =	vmul.f32 v14, v18  }
0x182: {  	v15 =	vadd.f32 v15, v16  }
0x183: {  	v14 =	vadd.f32 v14, v17  }
0x184: {  	(xrf2) =	vadd.scan.msk.f32 $0xffff, v15  }
0x185: {  	(xrf2) =	vadd.scan.msk.f32 $0xffff, v14;
	_ =	sdelay $0x8  }
0x186: {  	v14, _, _ =	vpop (xrf2)  }
0x187: {  	(v2sf) =	vpush v14, $0xF;
	v14, _, _ =	vpop (xrf2)  }
0x188: {  	(v2sf) =	vpush v14, $0xF;
	_ =	sdelay $0xb  }
0x189: {  	s19 =	sshll.u32 s18, $0x1;
	s26 =	sshllo.u32 s18, $0x1;
	s18 =	sadd.s32 $0x1, s18  }
0x18a: {  	p1 =	sne.s32 s18, $0x8  }
.Ltmp5:
0x18b: {  	s0 =	spop (v2sf);
	(pc) =	sbr.rel @p1 .LBB2_5-.Ltmp5, $4  }
0x18c: {  	v14 =	vmov s19;
	s0 =	sadd.f32 s0, s3;
	s20 =	spop (v2sf)  }
0x18d: {  	vm7 =	veq.s32 v14, v1;
	v14 =	vmov s26;
	s20 =	sadd.f32 s20, s31  }
0x18e: {  	v13 =	vsel vm7, s0, v13;
	vm7 =	veq.s32 v14, v1  }
0x18f: {  	v13 =	vsel vm7, s20, v13  }
0x190: {  	_ =	sdelay $0x2  }
0x191: {  	[tilespmem:$0x30A0] =	vst v13  }
0x192: {  	v14 =	vld.idx.msk [tilespmem:v12+s25+$0x0], $0xffff;
	_ =	sdelay $0x4  }
0x193: {  	v14 =	vmax.f32 v13, v14  }
0x194: {  	v13 =	vsub.f32 v13, v14;
	_ =	sdelay $0x1  }
0x195: {  	v13 =	vmul.f32 $1.442695020e+00, v13;
	_ =	sdelay $0x1  }
0x196: {  	(erf) = vpow2.f32 v13;
	_ =	sdelay $0x8  }
0x197: {  	v13 =	vpop (erf)  }
0x198: {  	s0 =	simm.s32 $0x3120;
	[tilespmem:$0x3120] =	vst v13  }
0x199: {  	v14 =	vld.idx.msk [tilespmem:v12+s0+$0x0], $0xffff;
	_ =	sdelay $0x4  }
0x19a: {  	v14 =	vadd.f32 v13, v14;
	_ =	sdelay $0x1  }
0x19b: {  	(erf) = vrcp.f32 v14;
	_ =	sdelay $0x8  }
0x19c: {  	v14 =	vpop (erf)  }
0x19d: {  	v13 =	vmul.f32 v14, v13;
	_ =	sdelay $0x1  }
0x19e: {  	[tilespmem:$0x31A0] =	vst v13  }
0x19f: {  	[hbm4b:s11+s6] =	stream.linear.scatter [tilespmem:s25], [sflag:$0x2], $0x10, $0x38;
	[tilespmem:$0x3220] =	vst v63  }
0x1a0: {  	_ =	swait.ge [sflag:s15], $0x10  }
0x1a1: {  	[sflag:s15] =	ssyncset.done $0x0  }
.Ltmp6:
0x1a2: {  	[sflag:s15] =	ssyncadd.s32 $0xFFFFFFF0;
	(pc) =	sbr.rel .LBB2_9-.Ltmp6, $4  }
0x1a3: {  	[hbm4b:s13+s6] =	stream.linear.scatter [tilespmem:s28], [sflag:$0x2], $0x10, $0x38;
	[tilespmem:$0x3220] =	vst v63  }
0x1a4: {  	_ =	swait.ge [sflag:s15], $0x10  }
0x1a5: {  	[sflag:s15] =	ssyncset.done $0x0  }
0x1a6: {  	[sflag:s15] =	ssyncadd.s32 $0xFFFFFFF0  }
.LBB2_10:
0x1a7: {  	_ =	sfence.sel $0x180000  }
0x1a8: {  	[bflag:$0x0] =	sbarrier.arrive $0xFFFF  }
0x1a9: {  	_ =	strace $0x90000047  }
0x1aa: {  	[bflag:$0x2] =	sbarrier.arrive $0xFFFF  }
0x1ab: {  	s0 =	rddreg [dreg:$0x6]  }
0x1ac: {  	s0 =	sadd.s32 @!p0 $0x100000, s0  }
0x1ad: {  	[sflag:s0] =	ssyncadd.tile.s32 @!p0 $0x1;
	_ =	shalt  }
.Lfunc_end2:
_tile_overlayer_lowered:
.L_overlay_start_2:
0x1ae: {  	(tag) =	ssettag $0x2  }
0x1af: {  	s0 =	rddreg [dreg:$0x0];
	s2 =	stileid.u32  }
0x1b0: {  	s1 =	rddreg [dreg:$0x1];
	p0 =	sne.s32 s2, $0x0  }
0x1b1: {  	s3 =	rddreg [dreg:$0x2];
	[bflag:$0x3] =	sbarrier.arrive $0xFFFF;
	s2 =	simm.s32 @!p0 $0x1C02  }
0x1b2: {  	[timem:s3], [sflag:s2] =	dma.local @!p0 [hbm:s0], s1  }
0x1b3: {  	s0 =	simm.s32 @!p0 $0x2  }
0x1b4: {  	_ =	swait.ge @!p0 [sflag:s0], s1  }
0x1b5: {  	s1 =	ssub.s32 @!p0 $0x0, s1;
	[sflag:s0] =	ssyncset.done @!p0 $0x0  }
0x1b6: {  	[sflag:s0] =	ssyncadd.s32 @!p0 s1  }
0x1b7: {  	[bflag:$0x3] =	sbarrier.arrive $0xFFFF  }
0x1b8: {  	_ =	shalt  }

</sc_bundles>
